<compile_context>
chip_gen: v7x
topology: tpu7x:2x2x1
jax: 0.10.2.dev20260603
libtpu: 0.0.44.dev20260713+nightly
codegen_flags: <defaults>
</compile_context>

<pallas_src>
import functools

import jax
import jax.numpy as jnp
from jax import lax
from jax.experimental import pallas as pl
from jax.experimental.pallas import tpu as pltpu
from jax.experimental.pallas import tpu_sc as plsc

N = 10000
D = 128
DH = 64
DG = 80
HID = 256
E = 320000
NPAD = 10240
NC, NS, L = 2, 16, 16
NW = NC * NS
CHUNK = 80
NCH1 = E // NW // CHUNK
NCH2 = E // NS // CHUNK
RPT = NPAD // NS
ZR = 128
RING = 4
PF = 2

_SC_PARAMS = pltpu.CompilerParams(use_tc_tiling_on_sc=False)


def _mesh():
    return plsc.VectorSubcoreMesh(core_axis_name="c", subcore_axis_name="s")


@functools.partial(
    pl.kernel,
    out_type=jax.ShapeDtypeStruct((NC, 1, NPAD), jnp.float32),
    mesh=_mesh(),
    scratch_types=[
        pltpu.VMEM((NCH1, CHUNK), jnp.int32),
        pltpu.VMEM((CHUNK,), jnp.float32),
        pltpu.VMEM((RPT,), jnp.float32),
        pltpu.VMEM_SHARED((NPAD,), jnp.float32),
        pltpu.SemaphoreType.DMA,
    ],
    compiler_params=_SC_PARAMS,
)
def _deg_kernel(dst_hbm, out_hbm, dstv, ones_v, zbuf, acc, sem):
    cid = lax.axis_index("c")
    sid = lax.axis_index("s")
    w = cid * NS + sid
    zeros = jnp.zeros((L,), jnp.float32)
    ones = jnp.ones((L,), jnp.float32)
    for u in range(CHUNK // L):
        ones_v[pl.ds(u * L, L)] = ones

    @pl.loop(0, RPT // L)
    def _zz(u):
        zbuf[pl.ds(u * L, L)] = zeros

    pltpu.sync_copy(zbuf, acc.at[pl.ds(sid * RPT, RPT)])
    pltpu.sync_copy(dst_hbm.at[w], dstv)
    plsc.subcore_barrier()

    @pl.loop(0, NCH1, unroll=4)
    def _chunk(j):
        pltpu.async_copy(ones_v, acc.at[dstv.at[j]], sem, add=True)

    @pl.loop(0, NCH1, unroll=4)
    def _drain(j):
        pltpu.make_async_copy(ones_v, acc.at[dstv.at[j]], sem).wait()

    plsc.subcore_barrier()

    @pl.when(sid == 0)
    def _out():
        pltpu.sync_copy(acc, out_hbm.at[cid, 0])


def _make_pass(dw):
    @functools.partial(
        pl.kernel,
        out_type=jax.ShapeDtypeStruct((NC * NPAD, dw), jnp.float32),
        mesh=_mesh(),
        scratch_types=[
            pltpu.VMEM((NCH2, CHUNK), jnp.int32),
            pltpu.VMEM((NCH2, CHUNK), jnp.int32),
            pltpu.VMEM((RING * CHUNK, dw), jnp.float32),
            pltpu.VMEM((ZR, dw), jnp.float32),
            pltpu.VMEM_SHARED((NPAD, dw), jnp.float32),
            pltpu.SemaphoreType.DMA,
            pltpu.SemaphoreType.DMA,
        ],
        compiler_params=_SC_PARAMS,
    )
    def pass_kernel(table, srcp, dstp, agg_hbm, srcv, dstv, rows_v, zbuf,
                    acc, sem, ssem):
        cid = lax.axis_index("c")
        sid = lax.axis_index("s")
        zeros = jnp.zeros((L,), jnp.float32)
        tab = table

        @pl.loop(0, ZR)
        def _z(i):
            for u in range(dw // L):
                zbuf[i, pl.ds(u * L, L)] = zeros

        for k in range(RPT // ZR):
            pltpu.sync_copy(zbuf, acc.at[pl.ds(sid * RPT + k * ZR, ZR)])
        pltpu.sync_copy(srcp.at[cid, sid], srcv)
        pltpu.sync_copy(dstp.at[sid], dstv)
        plsc.subcore_barrier()

        for p in range(PF):
            pltpu.async_copy(tab.at[srcv.at[p]],
                             rows_v.at[pl.ds(p * CHUNK, CHUNK)], sem)

        @pl.loop(0, NCH2, unroll=2)
        def _chunk(j):
            cur = lax.bitwise_and(j, RING - 1) * CHUNK
            nxt = lax.bitwise_and(j + PF, RING - 1) * CHUNK

            @pl.when(j >= RING - PF)
            def _drain():
                pltpu.make_async_copy(rows_v.at[pl.ds(nxt, CHUNK)],
                                      acc.at[dstv.at[j - (RING - PF)]],
                                      ssem).wait()

            @pl.when(j < NCH2 - PF)
            def _prefetch():
                pltpu.async_copy(tab.at[srcv.at[j + PF]],
                                 rows_v.at[pl.ds(nxt, CHUNK)], sem)

            pltpu.make_async_copy(tab.at[srcv.at[j]],
                                  rows_v.at[pl.ds(cur, CHUNK)], sem).wait()
            pltpu.async_copy(rows_v.at[pl.ds(cur, CHUNK)],
                             acc.at[dstv.at[j]], ssem, add=True)

        for p in range(RING - PF):
            k = NCH2 - (RING - PF) + p
            pltpu.make_async_copy(
                rows_v.at[pl.ds((k % RING) * CHUNK, CHUNK)],
                acc.at[dstv.at[k]], ssem).wait()
        plsc.subcore_barrier()
        pltpu.sync_copy(acc.at[pl.ds(sid * RPT, RPT)],
                        agg_hbm.at[pl.ds(cid * NPAD + sid * RPT, RPT)])

    return pass_kernel


_pass1 = _make_pass(DG)
_pass2 = _make_pass(DH)


def _rsqrt_body(dp, r):
    r[...] = lax.rsqrt(dp[0, 0] + dp[1, 0] + 1.0)


_rsqrt_call = pl.pallas_call(
    _rsqrt_body,
    out_shape=jax.ShapeDtypeStruct((NPAD // D, D), jnp.float32),
)

_GRID = 10
_BR = NPAD // _GRID


def _scale_body(x, r, o):
    h = pl.program_id(0) // _GRID
    rb = r[...]
    xb = x[...]
    xh = jnp.where(h == 0, xb[:, :DH], xb[:, DH:])
    lane = jax.lax.broadcasted_iota(jnp.int32, (_BR, DG - DH), 1)
    ghost = jnp.where(lane == 0, rb, 0.0)
    o[...] = jnp.concatenate([xh * rb, ghost], axis=1)


_scale_call = pl.pallas_call(
    _scale_body,
    grid=(2 * _GRID,),
    in_specs=[
        pl.BlockSpec((_BR, D), lambda i: (i % _GRID, 0)),
        pl.BlockSpec((_BR, 1), lambda i: (i % _GRID, 0)),
    ],
    out_specs=pl.BlockSpec((_BR, DG), lambda i: (i, 0)),
    out_shape=jax.ShapeDtypeStruct((NC * NPAD, DG), jnp.float32),
)


def _mid_body(ap, t1, r, o):
    rb = r[...]
    rr = rb * rb
    o[...] = (ap[:, :DH] + t1[:, :DH]) * rr


_mid_call = pl.pallas_call(
    _mid_body,
    grid=(2 * _GRID,),
    in_specs=[
        pl.BlockSpec((_BR, DG), lambda i: (i, 0)),
        pl.BlockSpec((_BR, DG), lambda i: (i, 0)),
        pl.BlockSpec((_BR, 1), lambda i: (i % _GRID, 0)),
    ],
    out_specs=pl.BlockSpec((_BR, DH), lambda i: (i, 0)),
    out_shape=jax.ShapeDtypeStruct((NC * NPAD, DH), jnp.float32),
)


def _fin_body(apa, apb, t2a, t2b, ap1, r, w1, w2, b1, b2, o):
    rb = r[...]
    ya = (apa[...] + t2a[...]) * rb
    yb = (apb[...] + t2b[...]) * rb
    y2 = jnp.concatenate([ya, yb], axis=1)
    wc = jnp.dot(w1[...], w2[...], preferred_element_type=jnp.float32)
    bv = jnp.dot(b1[...], w2[...], preferred_element_type=jnp.float32)
    c = (ap1[:, DH:DH + 1] + rb) * rb
    z = jnp.dot(y2, wc, preferred_element_type=jnp.float32) + c * bv + b2[...]
    o[...] = jax.nn.sigmoid(z)


_fin_call = pl.pallas_call(
    _fin_body,
    grid=(_GRID,),
    in_specs=[
        pl.BlockSpec((_BR, DH), lambda i: (i, 0)),
        pl.BlockSpec((_BR, DH), lambda i: (_GRID + i, 0)),
        pl.BlockSpec((_BR, DH), lambda i: (i, 0)),
        pl.BlockSpec((_BR, DH), lambda i: (_GRID + i, 0)),
        pl.BlockSpec((_BR, DG), lambda i: (i, 0)),
        pl.BlockSpec((_BR, 1), lambda i: (i, 0)),
        pl.BlockSpec((D, HID), lambda i: (0, 0)),
        pl.BlockSpec((HID, D), lambda i: (0, 0)),
        pl.BlockSpec((1, HID), lambda i: (0, 0)),
        pl.BlockSpec((1, D), lambda i: (0, 0)),
    ],
    out_specs=pl.BlockSpec((_BR, D), lambda i: (i, 0)),
    out_shape=jax.ShapeDtypeStruct((NPAD, D), jnp.float32),
)


def kernel(x, edge_index, W1, b1, W2, b2):
    src = edge_index[0].astype(jnp.int32)
    dst = edge_index[1].astype(jnp.int32)
    dst32 = dst.reshape(NW, NCH1, CHUNK)
    src16 = src.reshape(NS, NCH2, CHUNK)
    srcp = jnp.stack([src16, src16 + NPAD])
    dstp = dst.reshape(NS, NCH2, CHUNK)
    xp = jnp.pad(x, ((0, NPAD - N), (0, 0)))

    degp = _deg_kernel(dst32)
    r = _rsqrt_call(degp.reshape(NC, 1, NPAD // D, D))
    r2d = r.reshape(NPAD, 1)

    t1 = _scale_call(xp, r2d)
    agg1 = _pass1(t1, srcp, dstp)
    t2 = _mid_call(agg1, t1, r2d)
    agg2 = _pass2(t2, srcp, dstp)

    out = _fin_call(agg2, agg2, t2, t2, agg1, r2d, W1, W2,
                    b1.reshape(1, HID), b2.reshape(1, D))
    return out[:N]

# --- scband reference (transcript-rebuilt; emitter-appended) ---
"""Pipeline reference for scband-gcn-1022202216996 (READ-ONLY COPY).

The authoritative reference and input builder live on the scoring server;
editing this copy changes nothing except your own understanding.
"""

import jax, jax.numpy as jnp
import numpy as np

N_NODES = 10000
N_EDGES = 320000
IN_CH = 128
HID_CH = 256
OUT_CH = 128


def setup_inputs(seed: int = 0) -> dict:
    key = jax.random.key(seed)
    k_x, k_e, k_w1, k_b1, k_w2, k_b2 = jax.random.split(key, 6)
    x = jax.random.normal(k_x, (N_NODES, IN_CH), dtype=jnp.float32)
    edge_index = jax.random.randint(k_e, (2, N_EDGES), 0, N_NODES, dtype=jnp.int64)
    s1 = 1.0 / np.sqrt(IN_CH)
    s2 = 1.0 / np.sqrt(HID_CH)
    W1 = jax.random.uniform(k_w1, (IN_CH, HID_CH), dtype=jnp.float32, minval=-s1, maxval=s1)
    b1 = jnp.zeros((HID_CH,), dtype=jnp.float32)
    W2 = jax.random.uniform(k_w2, (HID_CH, OUT_CH), dtype=jnp.float32, minval=-s2, maxval=s2)
    b2 = jnp.zeros((OUT_CH,), dtype=jnp.float32)
    return {"x": x, "edge_index": edge_index, "W1": W1, "b1": b1, "W2": W2, "b2": b2}


def _gcn_conv(x, edge_index, W, b, n_nodes):
    # GCNConv: out = D^{-1/2} (A + I) D^{-1/2} X W + b
    loop = jnp.arange(n_nodes, dtype=edge_index.dtype)
    src = jnp.concatenate([edge_index[0], loop])
    dst = jnp.concatenate([edge_index[1], loop])
    deg = jnp.zeros((n_nodes,), dtype=x.dtype).at[dst].add(1.0)
    deg_inv_sqrt = jnp.where(deg > 0, jax.lax.rsqrt(deg), 0.0)
    norm = deg_inv_sqrt[src] * deg_inv_sqrt[dst]
    xw = x @ W
    msg = jnp.take(xw, src, axis=0) * norm[:, None]
    out = jnp.zeros((n_nodes, W.shape[1]), dtype=x.dtype).at[dst].add(msg)
    return out + b


def reference(x, edge_index, W1, b1, W2, b2):
    h = _gcn_conv(x, edge_index, W1, b1, N_NODES)
    h = _gcn_conv(h, edge_index, W2, b2, N_NODES)
    return jax.nn.sigmoid(h)

if __name__ == "__main__":
    import jax
    _d = setup_inputs()
    print(jax.jit(kernel)(*tuple(_d.values())))

</pallas_src>

<mosaic_0001>
#map = affine_map<(d0, d1) -> (0, 0, 0)>
module attributes {stable_mosaic.version = 14 : i64} {
  func.func @_deg_kernel(%arg0: i32, %arg1: i32, %arg2: memref<32x125x80xi32, #tpu.memory_space<hbm>>, %arg3: memref<2x1x10240xf32, #tpu.memory_space<hbm>>, %arg4: memref<125x80xi32, #tpu.memory_space<vmem>>, %arg5: memref<80xf32, #tpu.memory_space<vmem>>, %arg6: memref<640xf32, #tpu.memory_space<vmem>>, %arg7: memref<10240xf32, #tpu.memory_space<vmem_shared>>, %arg8: memref<!tpu.dma_semaphore, #tpu.memory_space<semaphore_mem>>) attributes {dimension_semantics = [#tpu.dimension_semantics<core_parallel>, #tpu.dimension_semantics<subcore_parallel>], iteration_bounds = array<i64: 2, 16>, scalar_prefetch = 0 : i64, scratch_operands = 5 : i64, tpu.core_type = #tpu.core_type<sc_vector_subcore>, window_params = [{transform_indices = #map}, {transform_indices = #map}]} {
    %mul3A = arith.constant 16 : i32
    %mul3A_0 = arith.muli %arg0, %mul3A : i32
    %add3A = arith.addi %mul3A_0, %arg1 : i32
    %broadcast_in_dim3A = arith.constant 0.000000e+00 : f32
    %broadcast_in_dim3A_1 = vector.broadcast %broadcast_in_dim3A : f32 to vector<16xf32>
    %broadcast_in_dim3A_2 = arith.constant 1.000000e+00 : f32
    %broadcast_in_dim3A_3 = vector.broadcast %broadcast_in_dim3A_2 : f32 to vector<16xf32>
    %swap3A = arith.constant 0 : index
    %swap3A_4 = tpu.vector_load %arg5[%swap3A] {strides = array<i32>} : memref<80xf32, #tpu.memory_space<vmem>>, vector<16xf32>,
    %swap3A_5 = vector.shape_cast %swap3A_4 : vector<16xf32> to vector<16xf32>
    %swap3A_6 = vector.shape_cast %broadcast_in_dim3A_3 : vector<16xf32> to vector<16xf32>
    tpu.vector_store %arg5[%swap3A], %swap3A_6 {strides = array<i32>} : memref<80xf32, #tpu.memory_space<vmem>>, vector<16xf32>,
    %swap3A_7 = arith.constant 16 : index
    %swap3A_8 = tpu.vector_load %arg5[%swap3A_7] {strides = array<i32>} : memref<80xf32, #tpu.memory_space<vmem>>, vector<16xf32>,
    %swap3A_9 = vector.shape_cast %swap3A_8 : vector<16xf32> to vector<16xf32>
    %swap3A_10 = vector.shape_cast %broadcast_in_dim3A_3 : vector<16xf32> to vector<16xf32>
    tpu.vector_store %arg5[%swap3A_7], %swap3A_10 {strides = array<i32>} : memref<80xf32, #tpu.memory_space<vmem>>, vector<16xf32>,
    %swap3A_11 = arith.constant 32 : index
    %swap3A_12 = tpu.vector_load %arg5[%swap3A_11] {strides = array<i32>} : memref<80xf32, #tpu.memory_space<vmem>>, vector<16xf32>,
    %swap3A_13 = vector.shape_cast %swap3A_12 : vector<16xf32> to vector<16xf32>
    %swap3A_14 = vector.shape_cast %broadcast_in_dim3A_3 : vector<16xf32> to vector<16xf32>
    tpu.vector_store %arg5[%swap3A_11], %swap3A_14 {strides = array<i32>} : memref<80xf32, #tpu.memory_space<vmem>>, vector<16xf32>,
    %swap3A_15 = arith.constant 48 : index
    %swap3A_16 = tpu.vector_load %arg5[%swap3A_15] {strides = array<i32>} : memref<80xf32, #tpu.memory_space<vmem>>, vector<16xf32>,
    %swap3A_17 = vector.shape_cast %swap3A_16 : vector<16xf32> to vector<16xf32>
    %swap3A_18 = vector.shape_cast %broadcast_in_dim3A_3 : vector<16xf32> to vector<16xf32>
    tpu.vector_store %arg5[%swap3A_15], %swap3A_18 {strides = array<i32>} : memref<80xf32, #tpu.memory_space<vmem>>, vector<16xf32>,
    %swap3A_19 = arith.constant 64 : index
    %swap3A_20 = tpu.vector_load %arg5[%swap3A_19] {strides = array<i32>} : memref<80xf32, #tpu.memory_space<vmem>>, vector<16xf32>,
    %swap3A_21 = vector.shape_cast %swap3A_20 : vector<16xf32> to vector<16xf32>
    %swap3A_22 = vector.shape_cast %broadcast_in_dim3A_3 : vector<16xf32> to vector<16xf32>
    tpu.vector_store %arg5[%swap3A_19], %swap3A_22 {strides = array<i32>} : memref<80xf32, #tpu.memory_space<vmem>>, vector<16xf32>,
    %scan3A = arith.constant 0 : i32
    %scan3A_23 = arith.constant 40 : i32
    %scan3A_24 = arith.addi %scan3A, %scan3A_23 : i32
    %scan3A_25 = arith.constant 1 : i32
    scf.for %scan3A_62 = %scan3A to %scan3A_24 step %scan3A_25  : i32 {
      %mul3A_63 = arith.constant 1 : i32
      %mul3A_64 = arith.muli %scan3A_62, %mul3A_63 : i32
      %add3A_65 = arith.constant 0 : i32
      %add3A_66 = arith.addi %add3A_65, %mul3A_64 : i32
      %mul3A_67 = arith.constant 16 : i32
      %mul3A_68 = arith.muli %add3A_66, %mul3A_67 : i32
      %swap3A_69 = arith.index_cast %mul3A_68 : i32 to index
      %swap3A_70 = tpu.vector_load %arg6[%swap3A_69] {strides = array<i32>} : memref<640xf32, #tpu.memory_space<vmem>>, vector<16xf32>,
      %swap3A_71 = vector.shape_cast %swap3A_70 : vector<16xf32> to vector<16xf32>
      %swap3A_72 = vector.shape_cast %broadcast_in_dim3A_1 : vector<16xf32> to vector<16xf32>
      tpu.vector_store %arg6[%swap3A_69], %swap3A_72 {strides = array<i32>} : memref<640xf32, #tpu.memory_space<vmem>>, vector<16xf32>,
    }
    %scan3A_26 = arith.constant 40 : i32
    %mul3A_27 = arith.constant 640 : i32
    %mul3A_28 = arith.muli %arg1, %mul3A_27 : i32
    "tpu.region"() ({
      %run_scoped3A = tpu.sem_alloc : memref<!tpu.dma_semaphore, #tpu.memory_space<semaphore_mem>>
      %dma_start3A_62 = tpu.memref_slice %arg7[%mul3A_28] : memref<10240xf32, #tpu.memory_space<vmem_shared>> -> memref<640xf32, #tpu.memory_space<vmem_shared>>
      %dma_start3A_63 = tpu.memref_slice %arg7[%mul3A_28] : memref<10240xf32, #tpu.memory_space<vmem_shared>> -> memref<640xf32, #tpu.memory_space<vmem_shared>>
      tpu.enqueue_dma source(%arg6 : memref<640xf32, #tpu.memory_space<vmem>>) target(%dma_start3A_63 : memref<640xf32, #tpu.memory_space<vmem_shared>>) target_semaphore(%run_scoped3A : memref<!tpu.dma_semaphore, #tpu.memory_space<semaphore_mem>>)
      %dma_wait3A_64 = tpu.memref_slice %arg7[%mul3A_28] : memref<10240xf32, #tpu.memory_space<vmem_shared>> -> memref<640xf32, #tpu.memory_space<vmem_shared>>
      %dma_wait3A_65 = tpu.memref_slice %arg7[%mul3A_28] : memref<10240xf32, #tpu.memory_space<vmem_shared>> -> memref<640xf32, #tpu.memory_space<vmem_shared>>
      tpu.wait_dma2 semaphore(%run_scoped3A : memref<!tpu.dma_semaphore, #tpu.memory_space<semaphore_mem>>) src(%arg6 : memref<640xf32, #tpu.memory_space<vmem>>) dst(%dma_wait3A_65 : memref<640xf32, #tpu.memory_space<vmem_shared>>)
      tpu.yield
    }) : () -> ()
    "tpu.region"() ({
      %run_scoped3A = tpu.sem_alloc : memref<!tpu.dma_semaphore, #tpu.memory_space<semaphore_mem>>
      %dma_start3A_62 = arith.constant 0 : i32
      %dma_start3A_63 = arith.constant 0 : i32
      %dma_start3A_64 = tpu.memref_slice %arg2[%add3A, %dma_start3A_62, %dma_start3A_63] : memref<32x125x80xi32, #tpu.memory_space<hbm>> -> memref<1x125x80xi32, #tpu.memory_space<hbm>>
      %dma_start3A_65 = tpu.memref_squeeze %dma_start3A_64 : memref<1x125x80xi32, #tpu.memory_space<hbm>> -> memref<125x80xi32, #tpu.memory_space<hbm>>
      %dma_start3A_66 = arith.constant 0 : i32
      %dma_start3A_67 = arith.constant 0 : i32
      %dma_start3A_68 = tpu.memref_slice %arg2[%add3A, %dma_start3A_66, %dma_start3A_67] : memref<32x125x80xi32, #tpu.memory_space<hbm>> -> memref<1x125x80xi32, #tpu.memory_space<hbm>>
      %dma_start3A_69 = tpu.memref_squeeze %dma_start3A_68 : memref<1x125x80xi32, #tpu.memory_space<hbm>> -> memref<125x80xi32, #tpu.memory_space<hbm>>
      tpu.enqueue_dma source(%dma_start3A_69 : memref<125x80xi32, #tpu.memory_space<hbm>>) target(%arg4 : memref<125x80xi32, #tpu.memory_space<vmem>>) target_semaphore(%run_scoped3A : memref<!tpu.dma_semaphore, #tpu.memory_space<semaphore_mem>>)
      %dma_wait3A_70 = arith.constant 0 : i32
      %dma_wait3A_71 = arith.constant 0 : i32
      %dma_wait3A_72 = tpu.memref_slice %arg2[%add3A, %dma_wait3A_70, %dma_wait3A_71] : memref<32x125x80xi32, #tpu.memory_space<hbm>> -> memref<1x125x80xi32, #tpu.memory_space<hbm>>
      %dma_wait3A_73 = tpu.memref_squeeze %dma_wait3A_72 : memref<1x125x80xi32, #tpu.memory_space<hbm>> -> memref<125x80xi32, #tpu.memory_space<hbm>>
      %dma_wait3A_74 = arith.constant 0 : i32
      %dma_wait3A_75 = arith.constant 0 : i32
      %dma_wait3A_76 = tpu.memref_slice %arg2[%add3A, %dma_wait3A_74, %dma_wait3A_75] : memref<32x125x80xi32, #tpu.memory_space<hbm>> -> memref<1x125x80xi32, #tpu.memory_space<hbm>>
      %dma_wait3A_77 = tpu.memref_squeeze %dma_wait3A_76 : memref<1x125x80xi32, #tpu.memory_space<hbm>> -> memref<125x80xi32, #tpu.memory_space<hbm>>
      tpu.wait_dma2 semaphore(%run_scoped3A : memref<!tpu.dma_semaphore, #tpu.memory_space<semaphore_mem>>) src(%dma_wait3A_77 : memref<125x80xi32, #tpu.memory_space<hbm>>) dst(%arg4 : memref<125x80xi32, #tpu.memory_space<vmem>>)
      tpu.yield
    }) : () -> ()
    %barrier3A = arith.constant 0 : index
    tpu.barrier barrier_id(%barrier3A)
    %scan3A_29 = arith.constant 0 : i32
    %scan3A_30 = arith.constant 124 : i32
    %scan3A_31 = arith.addi %scan3A_29, %scan3A_30 : i32
    %scan3A_32 = arith.constant 4 : i32
    scf.for %scan3A_62 = %scan3A_29 to %scan3A_31 step %scan3A_32  : i32 {
      %mul3A_63 = arith.constant 1 : i32
      %mul3A_64 = arith.muli %scan3A_62, %mul3A_63 : i32
      %add3A_65 = arith.constant 0 : i32
      %add3A_66 = arith.addi %add3A_65, %mul3A_64 : i32
      %dma_start3A_67 = arith.constant 0 : i32
      %dma_start3A_68 = tpu.memref_slice %arg4[%add3A_66, %dma_start3A_67] : memref<125x80xi32, #tpu.memory_space<vmem>> -> memref<1x80xi32, #tpu.memory_space<vmem>>
      %dma_start3A_69 = tpu.memref_squeeze %dma_start3A_68 : memref<1x80xi32, #tpu.memory_space<vmem>> -> memref<80xi32, #tpu.memory_space<vmem>>
      %dma_start3A_70 = arith.constant 0 : i32
      %dma_start3A_71 = tpu.memref_slice %arg7[%dma_start3A_70] : memref<10240xf32, #tpu.memory_space<vmem_shared>> -> memref<10240xf32, #tpu.memory_space<vmem_shared>>
      tpu.enqueue_indirect_dma source(%arg5 : memref<80xf32, #tpu.memory_space<vmem>>) target(%dma_start3A_71 : memref<10240xf32, #tpu.memory_space<vmem_shared>>) offsets(%dma_start3A_69 : memref<80xi32, #tpu.memory_space<vmem>>) semaphore(%arg8 : memref<!tpu.dma_semaphore, #tpu.memory_space<semaphore_mem>>) {add = true}
      %scan3A_72 = arith.constant 1 : i32
      %scan3A_73 = arith.addi %scan3A_62, %scan3A_72 : i32
      %mul3A_74 = arith.constant 1 : i32
      %mul3A_75 = arith.muli %scan3A_73, %mul3A_74 : i32
      %add3A_76 = arith.constant 0 : i32
      %add3A_77 = arith.addi %add3A_76, %mul3A_75 : i32
      %dma_start3A_78 = arith.constant 0 : i32
      %dma_start3A_79 = tpu.memref_slice %arg4[%add3A_77, %dma_start3A_78] : memref<125x80xi32, #tpu.memory_space<vmem>> -> memref<1x80xi32, #tpu.memory_space<vmem>>
      %dma_start3A_80 = tpu.memref_squeeze %dma_start3A_79 : memref<1x80xi32, #tpu.memory_space<vmem>> -> memref<80xi32, #tpu.memory_space<vmem>>
      %dma_start3A_81 = arith.constant 0 : i32
      %dma_start3A_82 = tpu.memref_slice %arg7[%dma_start3A_81] : memref<10240xf32, #tpu.memory_space<vmem_shared>> -> memref<10240xf32, #tpu.memory_space<vmem_shared>>
      tpu.enqueue_indirect_dma source(%arg5 : memref<80xf32, #tpu.memory_space<vmem>>) target(%dma_start3A_82 : memref<10240xf32, #tpu.memory_space<vmem_shared>>) offsets(%dma_start3A_80 : memref<80xi32, #tpu.memory_space<vmem>>) semaphore(%arg8 : memref<!tpu.dma_semaphore, #tpu.memory_space<semaphore_mem>>) {add = true}
      %scan3A_83 = arith.constant 2 : i32
      %scan3A_84 = arith.addi %scan3A_62, %scan3A_83 : i32
      %mul3A_85 = arith.constant 1 : i32
      %mul3A_86 = arith.muli %scan3A_84, %mul3A_85 : i32
      %add3A_87 = arith.constant 0 : i32
      %add3A_88 = arith.addi %add3A_87, %mul3A_86 : i32
      %dma_start3A_89 = arith.constant 0 : i32
      %dma_start3A_90 = tpu.memref_slice %arg4[%add3A_88, %dma_start3A_89] : memref<125x80xi32, #tpu.memory_space<vmem>> -> memref<1x80xi32, #tpu.memory_space<vmem>>
      %dma_start3A_91 = tpu.memref_squeeze %dma_start3A_90 : memref<1x80xi32, #tpu.memory_space<vmem>> -> memref<80xi32, #tpu.memory_space<vmem>>
      %dma_start3A_92 = arith.constant 0 : i32
      %dma_start3A_93 = tpu.memref_slice %arg7[%dma_start3A_92] : memref<10240xf32, #tpu.memory_space<vmem_shared>> -> memref<10240xf32, #tpu.memory_space<vmem_shared>>
      tpu.enqueue_indirect_dma source(%arg5 : memref<80xf32, #tpu.memory_space<vmem>>) target(%dma_start3A_93 : memref<10240xf32, #tpu.memory_space<vmem_shared>>) offsets(%dma_start3A_91 : memref<80xi32, #tpu.memory_space<vmem>>) semaphore(%arg8 : memref<!tpu.dma_semaphore, #tpu.memory_space<semaphore_mem>>) {add = true}
      %scan3A_94 = arith.constant 3 : i32
      %scan3A_95 = arith.addi %scan3A_62, %scan3A_94 : i32
      %mul3A_96 = arith.constant 1 : i32
      %mul3A_97 = arith.muli %scan3A_95, %mul3A_96 : i32
      %add3A_98 = arith.constant 0 : i32
      %add3A_99 = arith.addi %add3A_98, %mul3A_97 : i32
      %dma_start3A_100 = arith.constant 0 : i32
      %dma_start3A_101 = tpu.memref_slice %arg4[%add3A_99, %dma_start3A_100] : memref<125x80xi32, #tpu.memory_space<vmem>> -> memref<1x80xi32, #tpu.memory_space<vmem>>
      %dma_start3A_102 = tpu.memref_squeeze %dma_start3A_101 : memref<1x80xi32, #tpu.memory_space<vmem>> -> memref<80xi32, #tpu.memory_space<vmem>>
      %dma_start3A_103 = arith.constant 0 : i32
      %dma_start3A_104 = tpu.memref_slice %arg7[%dma_start3A_103] : memref<10240xf32, #tpu.memory_space<vmem_shared>> -> memref<10240xf32, #tpu.memory_space<vmem_shared>>
      tpu.enqueue_indirect_dma source(%arg5 : memref<80xf32, #tpu.memory_space<vmem>>) target(%dma_start3A_104 : memref<10240xf32, #tpu.memory_space<vmem_shared>>) offsets(%dma_start3A_102 : memref<80xi32, #tpu.memory_space<vmem>>) semaphore(%arg8 : memref<!tpu.dma_semaphore, #tpu.memory_space<semaphore_mem>>) {add = true}
    }
    %scan3A_33 = arith.constant 124 : i32
    %scan3A_34 = arith.addi %scan3A_29, %scan3A_33 : i32
    %mul3A_35 = arith.constant 1 : i32
    %mul3A_36 = arith.muli %scan3A_34, %mul3A_35 : i32
    %add3A_37 = arith.constant 0 : i32
    %add3A_38 = arith.addi %add3A_37, %mul3A_36 : i32
    %dma_start3A = arith.constant 0 : i32
    %dma_start3A_39 = tpu.memref_slice %arg4[%add3A_38, %dma_start3A] : memref<125x80xi32, #tpu.memory_space<vmem>> -> memref<1x80xi32, #tpu.memory_space<vmem>>
    %dma_start3A_40 = tpu.memref_squeeze %dma_start3A_39 : memref<1x80xi32, #tpu.memory_space<vmem>> -> memref<80xi32, #tpu.memory_space<vmem>>
    %dma_start3A_41 = arith.constant 0 : i32
    %dma_start3A_42 = tpu.memref_slice %arg7[%dma_start3A_41] : memref<10240xf32, #tpu.memory_space<vmem_shared>> -> memref<10240xf32, #tpu.memory_space<vmem_shared>>
    tpu.enqueue_indirect_dma source(%arg5 : memref<80xf32, #tpu.memory_space<vmem>>) target(%dma_start3A_42 : memref<10240xf32, #tpu.memory_space<vmem_shared>>) offsets(%dma_start3A_40 : memref<80xi32, #tpu.memory_space<vmem>>) semaphore(%arg8 : memref<!tpu.dma_semaphore, #tpu.memory_space<semaphore_mem>>) {add = true}
    %scan3A_43 = arith.constant 125 : i32
    %scan3A_44 = arith.constant 0 : i32
    %scan3A_45 = arith.constant 124 : i32
    %scan3A_46 = arith.addi %scan3A_44, %scan3A_45 : i32
    %scan3A_47 = arith.constant 4 : i32
    scf.for %scan3A_62 = %scan3A_44 to %scan3A_46 step %scan3A_47  : i32 {
      %mul3A_63 = arith.constant 1 : i32
      %mul3A_64 = arith.muli %scan3A_62, %mul3A_63 : i32
      %add3A_65 = arith.constant 0 : i32
      %add3A_66 = arith.addi %add3A_65, %mul3A_64 : i32
      %dma_wait3A_67 = arith.constant 0 : i32
      %dma_wait3A_68 = tpu.memref_slice %arg4[%add3A_66, %dma_wait3A_67] : memref<125x80xi32, #tpu.memory_space<vmem>> -> memref<1x80xi32, #tpu.memory_space<vmem>>
      %dma_wait3A_69 = tpu.memref_squeeze %dma_wait3A_68 : memref<1x80xi32, #tpu.memory_space<vmem>> -> memref<80xi32, #tpu.memory_space<vmem>>
      %dma_wait3A_70 = arith.constant 0 : i32
      %dma_wait3A_71 = tpu.memref_slice %arg7[%dma_wait3A_70] : memref<10240xf32, #tpu.memory_space<vmem_shared>> -> memref<10240xf32, #tpu.memory_space<vmem_shared>>
      tpu.wait_indirect_dma semaphore(%arg8 : memref<!tpu.dma_semaphore, #tpu.memory_space<semaphore_mem>>) src(%arg5 : memref<80xf32, #tpu.memory_space<vmem>>) dst(%dma_wait3A_71 : memref<10240xf32, #tpu.memory_space<vmem_shared>>)
      %scan3A_72 = arith.constant 1 : i32
      %scan3A_73 = arith.addi %scan3A_62, %scan3A_72 : i32
      %mul3A_74 = arith.constant 1 : i32
      %mul3A_75 = arith.muli %scan3A_73, %mul3A_74 : i32
      %add3A_76 = arith.constant 0 : i32
      %add3A_77 = arith.addi %add3A_76, %mul3A_75 : i32
      %dma_wait3A_78 = arith.constant 0 : i32
      %dma_wait3A_79 = tpu.memref_slice %arg4[%add3A_77, %dma_wait3A_78] : memref<125x80xi32, #tpu.memory_space<vmem>> -> memref<1x80xi32, #tpu.memory_space<vmem>>
      %dma_wait3A_80 = tpu.memref_squeeze %dma_wait3A_79 : memref<1x80xi32, #tpu.memory_space<vmem>> -> memref<80xi32, #tpu.memory_space<vmem>>
      %dma_wait3A_81 = arith.constant 0 : i32
      %dma_wait3A_82 = tpu.memref_slice %arg7[%dma_wait3A_81] : memref<10240xf32, #tpu.memory_space<vmem_shared>> -> memref<10240xf32, #tpu.memory_space<vmem_shared>>
      tpu.wait_indirect_dma semaphore(%arg8 : memref<!tpu.dma_semaphore, #tpu.memory_space<semaphore_mem>>) src(%arg5 : memref<80xf32, #tpu.memory_space<vmem>>) dst(%dma_wait3A_82 : memref<10240xf32, #tpu.memory_space<vmem_shared>>)
      %scan3A_83 = arith.constant 2 : i32
      %scan3A_84 = arith.addi %scan3A_62, %scan3A_83 : i32
      %mul3A_85 = arith.constant 1 : i32
      %mul3A_86 = arith.muli %scan3A_84, %mul3A_85 : i32
      %add3A_87 = arith.constant 0 : i32
      %add3A_88 = arith.addi %add3A_87, %mul3A_86 : i32
      %dma_wait3A_89 = arith.constant 0 : i32
      %dma_wait3A_90 = tpu.memref_slice %arg4[%add3A_88, %dma_wait3A_89] : memref<125x80xi32, #tpu.memory_space<vmem>> -> memref<1x80xi32, #tpu.memory_space<vmem>>
      %dma_wait3A_91 = tpu.memref_squeeze %dma_wait3A_90 : memref<1x80xi32, #tpu.memory_space<vmem>> -> memref<80xi32, #tpu.memory_space<vmem>>
      %dma_wait3A_92 = arith.constant 0 : i32
      %dma_wait3A_93 = tpu.memref_slice %arg7[%dma_wait3A_92] : memref<10240xf32, #tpu.memory_space<vmem_shared>> -> memref<10240xf32, #tpu.memory_space<vmem_shared>>
      tpu.wait_indirect_dma semaphore(%arg8 : memref<!tpu.dma_semaphore, #tpu.memory_space<semaphore_mem>>) src(%arg5 : memref<80xf32, #tpu.memory_space<vmem>>) dst(%dma_wait3A_93 : memref<10240xf32, #tpu.memory_space<vmem_shared>>)
      %scan3A_94 = arith.constant 3 : i32
      %scan3A_95 = arith.addi %scan3A_62, %scan3A_94 : i32
      %mul3A_96 = arith.constant 1 : i32
      %mul3A_97 = arith.muli %scan3A_95, %mul3A_96 : i32
      %add3A_98 = arith.constant 0 : i32
      %add3A_99 = arith.addi %add3A_98, %mul3A_97 : i32
      %dma_wait3A_100 = arith.constant 0 : i32
      %dma_wait3A_101 = tpu.memref_slice %arg4[%add3A_99, %dma_wait3A_100] : memref<125x80xi32, #tpu.memory_space<vmem>> -> memref<1x80xi32, #tpu.memory_space<vmem>>
      %dma_wait3A_102 = tpu.memref_squeeze %dma_wait3A_101 : memref<1x80xi32, #tpu.memory_space<vmem>> -> memref<80xi32, #tpu.memory_space<vmem>>
      %dma_wait3A_103 = arith.constant 0 : i32
      %dma_wait3A_104 = tpu.memref_slice %arg7[%dma_wait3A_103] : memref<10240xf32, #tpu.memory_space<vmem_shared>> -> memref<10240xf32, #tpu.memory_space<vmem_shared>>
      tpu.wait_indirect_dma semaphore(%arg8 : memref<!tpu.dma_semaphore, #tpu.memory_space<semaphore_mem>>) src(%arg5 : memref<80xf32, #tpu.memory_space<vmem>>) dst(%dma_wait3A_104 : memref<10240xf32, #tpu.memory_space<vmem_shared>>)
    }
    %scan3A_48 = arith.constant 124 : i32
    %scan3A_49 = arith.addi %scan3A_44, %scan3A_48 : i32
    %mul3A_50 = arith.constant 1 : i32
    %mul3A_51 = arith.muli %scan3A_49, %mul3A_50 : i32
    %add3A_52 = arith.constant 0 : i32
    %add3A_53 = arith.addi %add3A_52, %mul3A_51 : i32
    %dma_wait3A = arith.constant 0 : i32
    %dma_wait3A_54 = tpu.memref_slice %arg4[%add3A_53, %dma_wait3A] : memref<125x80xi32, #tpu.memory_space<vmem>> -> memref<1x80xi32, #tpu.memory_space<vmem>>
    %dma_wait3A_55 = tpu.memref_squeeze %dma_wait3A_54 : memref<1x80xi32, #tpu.memory_space<vmem>> -> memref<80xi32, #tpu.memory_space<vmem>>
    %dma_wait3A_56 = arith.constant 0 : i32
    %dma_wait3A_57 = tpu.memref_slice %arg7[%dma_wait3A_56] : memref<10240xf32, #tpu.memory_space<vmem_shared>> -> memref<10240xf32, #tpu.memory_space<vmem_shared>>
    tpu.wait_indirect_dma semaphore(%arg8 : memref<!tpu.dma_semaphore, #tpu.memory_space<semaphore_mem>>) src(%arg5 : memref<80xf32, #tpu.memory_space<vmem>>) dst(%dma_wait3A_57 : memref<10240xf32, #tpu.memory_space<vmem_shared>>)
    %scan3A_58 = arith.constant 125 : i32
    %barrier3A_59 = arith.constant 0 : index
    tpu.barrier barrier_id(%barrier3A_59)
    %eq3A = arith.constant 0 : i32
    %eq3A_60 = arith.cmpi eq, %arg1, %eq3A : i32
    %convert_element_type3A = arith.extui %eq3A_60 : i1 to i32
    %cond3A = arith.constant 0 : i32
    %cond3A_61 = arith.cmpi ne, %convert_element_type3A, %cond3A : i32
    scf.if %cond3A_61 {
      %run_scoped3A = arith.constant 0 : i32
      "tpu.region"() ({
        %run_scoped3A_62 = tpu.sem_alloc : memref<!tpu.dma_semaphore, #tpu.memory_space<semaphore_mem>>
        %dma_start3A_63 = arith.constant 0 : i32
        %dma_start3A_64 = tpu.memref_slice %arg3[%arg0, %run_scoped3A, %dma_start3A_63] : memref<2x1x10240xf32, #tpu.memory_space<hbm>> -> memref<1x1x10240xf32, #tpu.memory_space<hbm>>
        %dma_start3A_65 = tpu.memref_squeeze %dma_start3A_64 : memref<1x1x10240xf32, #tpu.memory_space<hbm>> -> memref<10240xf32, #tpu.memory_space<hbm>>
        tpu.enqueue_dma source(%arg7 : memref<10240xf32, #tpu.memory_space<vmem_shared>>) target(%dma_start3A_65 : memref<10240xf32, #tpu.memory_space<hbm>>) target_semaphore(%run_scoped3A_62 : memref<!tpu.dma_semaphore, #tpu.memory_space<semaphore_mem>>)
        %dma_wait3A_66 = arith.constant 0 : i32
        %dma_wait3A_67 = tpu.memref_slice %arg3[%arg0, %run_scoped3A, %dma_wait3A_66] : memref<2x1x10240xf32, #tpu.memory_space<hbm>> -> memref<1x1x10240xf32, #tpu.memory_space<hbm>>
        %dma_wait3A_68 = tpu.memref_squeeze %dma_wait3A_67 : memref<1x1x10240xf32, #tpu.memory_space<hbm>> -> memref<10240xf32, #tpu.memory_space<hbm>>
        tpu.wait_dma2 semaphore(%run_scoped3A_62 : memref<!tpu.dma_semaphore, #tpu.memory_space<semaphore_mem>>) src(%arg7 : memref<10240xf32, #tpu.memory_space<vmem_shared>>) dst(%dma_wait3A_68 : memref<10240xf32, #tpu.memory_space<hbm>>)
        tpu.yield
      }) : () -> ()
    } else {
    }
    return
  }
}

#map = affine_map<(d0, d1) -> (0, 0)>
#map1 = affine_map<(d0, d1) -> (0, 0, 0, 0)>
#map2 = affine_map<(d0, d1) -> (0, 0, 0)>
module attributes {stable_mosaic.version = 14 : i64} {
  func.func @pass_kernel(%arg0: i32, %arg1: i32, %arg2: memref<20480x80xf32, #tpu.memory_space<hbm>>, %arg3: memref<2x16x250x80xi32, #tpu.memory_space<hbm>>, %arg4: memref<16x250x80xi32, #tpu.memory_space<hbm>>, %arg5: memref<20480x80xf32, #tpu.memory_space<hbm>>, %arg6: memref<250x80xi32, #tpu.memory_space<vmem>>, %arg7: memref<250x80xi32, #tpu.memory_space<vmem>>, %arg8: memref<320x80xf32, #tpu.memory_space<vmem>>, %arg9: memref<128x80xf32, #tpu.memory_space<vmem>>, %arg10: memref<10240x80xf32, #tpu.memory_space<vmem_shared>>, %arg11: memref<!tpu.dma_semaphore, #tpu.memory_space<semaphore_mem>>, %arg12: memref<!tpu.dma_semaphore, #tpu.memory_space<semaphore_mem>>) attributes {dimension_semantics = [#tpu.dimension_semantics<core_parallel>, #tpu.dimension_semantics<subcore_parallel>], iteration_bounds = array<i64: 2, 16>, scalar_prefetch = 0 : i64, scratch_operands = 7 : i64, tpu.core_type = #tpu.core_type<sc_vector_subcore>, window_params = [{transform_indices = #map}, {transform_indices = #map1}, {transform_indices = #map2}, {transform_indices = #map}]} {
    %broadcast_in_dim3A = arith.constant 0.000000e+00 : f32
    %broadcast_in_dim3A_0 = vector.broadcast %broadcast_in_dim3A : f32 to vector<16xf32>
    %scan3A = arith.constant 0 : i32
    %scan3A_1 = arith.constant 128 : i32
    %scan3A_2 = arith.addi %scan3A, %scan3A_1 : i32
    %scan3A_3 = arith.constant 1 : i32
    scf.for %scan3A_74 = %scan3A to %scan3A_2 step %scan3A_3  : i32 {
      %mul3A_75 = arith.constant 1 : i32
      %mul3A_76 = arith.muli %scan3A_74, %mul3A_75 : i32
      %add3A_77 = arith.constant 0 : i32
      %add3A_78 = arith.addi %add3A_77, %mul3A_76 : i32
      %swap3A = arith.index_cast %add3A_78 : i32 to index
      %swap3A_79 = arith.constant 0 : index
      %swap3A_80 = tpu.vector_load %arg9[%swap3A, %swap3A_79] {strides = array<i32>} : memref<128x80xf32, #tpu.memory_space<vmem>>, vector<1x16xf32>,
      %swap3A_81 = vector.shape_cast %swap3A_80 : vector<1x16xf32> to vector<16xf32>
      %swap3A_82 = vector.shape_cast %broadcast_in_dim3A_0 : vector<16xf32> to vector<1x16xf32>
      tpu.vector_store %arg9[%swap3A, %swap3A_79], %swap3A_82 {strides = array<i32>} : memref<128x80xf32, #tpu.memory_space<vmem>>, vector<1x16xf32>,
      %swap3A_83 = arith.index_cast %add3A_78 : i32 to index
      %swap3A_84 = arith.constant 16 : index
      %swap3A_85 = tpu.vector_load %arg9[%swap3A_83, %swap3A_84] {strides = array<i32>} : memref<128x80xf32, #tpu.memory_space<vmem>>, vector<1x16xf32>,
      %swap3A_86 = vector.shape_cast %swap3A_85 : vector<1x16xf32> to vector<16xf32>
      %swap3A_87 = vector.shape_cast %broadcast_in_dim3A_0 : vector<16xf32> to vector<1x16xf32>
      tpu.vector_store %arg9[%swap3A_83, %swap3A_84], %swap3A_87 {strides = array<i32>} : memref<128x80xf32, #tpu.memory_space<vmem>>, vector<1x16xf32>,
      %swap3A_88 = arith.index_cast %add3A_78 : i32 to index
      %swap3A_89 = arith.constant 32 : index
      %swap3A_90 = tpu.vector_load %arg9[%swap3A_88, %swap3A_89] {strides = array<i32>} : memref<128x80xf32, #tpu.memory_space<vmem>>, vector<1x16xf32>,
      %swap3A_91 = vector.shape_cast %swap3A_90 : vector<1x16xf32> to vector<16xf32>
      %swap3A_92 = vector.shape_cast %broadcast_in_dim3A_0 : vector<16xf32> to vector<1x16xf32>
      tpu.vector_store %arg9[%swap3A_88, %swap3A_89], %swap3A_92 {strides = array<i32>} : memref<128x80xf32, #tpu.memory_space<vmem>>, vector<1x16xf32>,
      %swap3A_93 = arith.index_cast %add3A_78 : i32 to index
      %swap3A_94 = arith.constant 48 : index
      %swap3A_95 = tpu.vector_load %arg9[%swap3A_93, %swap3A_94] {strides = array<i32>} : memref<128x80xf32, #tpu.memory_space<vmem>>, vector<1x16xf32>,
      %swap3A_96 = vector.shape_cast %swap3A_95 : vector<1x16xf32> to vector<16xf32>
      %swap3A_97 = vector.shape_cast %broadcast_in_dim3A_0 : vector<16xf32> to vector<1x16xf32>
      tpu.vector_store %arg9[%swap3A_93, %swap3A_94], %swap3A_97 {strides = array<i32>} : memref<128x80xf32, #tpu.memory_space<vmem>>, vector<1x16xf32>,
      %swap3A_98 = arith.index_cast %add3A_78 : i32 to index
      %swap3A_99 = arith.constant 64 : index
      %swap3A_100 = tpu.vector_load %arg9[%swap3A_98, %swap3A_99] {strides = array<i32>} : memref<128x80xf32, #tpu.memory_space<vmem>>, vector<1x16xf32>,
      %swap3A_101 = vector.shape_cast %swap3A_100 : vector<1x16xf32> to vector<16xf32>
      %swap3A_102 = vector.shape_cast %broadcast_in_dim3A_0 : vector<16xf32> to vector<1x16xf32>
      tpu.vector_store %arg9[%swap3A_98, %swap3A_99], %swap3A_102 {strides = array<i32>} : memref<128x80xf32, #tpu.memory_space<vmem>>, vector<1x16xf32>,
    }
    %scan3A_4 = arith.constant 128 : i32
    %mul3A = arith.constant 640 : i32
    %mul3A_5 = arith.muli %arg1, %mul3A : i32
    %add3A = arith.constant 0 : i32
    %add3A_6 = arith.addi %mul3A_5, %add3A : i32
    "tpu.region"() ({
      %run_scoped3A = tpu.sem_alloc : memref<!tpu.dma_semaphore, #tpu.memory_space<semaphore_mem>>
      %dma_start3A_74 = arith.constant 0 : i32
      %dma_start3A_75 = tpu.memref_slice %arg10[%add3A_6, %dma_start3A_74] : memref<10240x80xf32, #tpu.memory_space<vmem_shared>> -> memref<128x80xf32, #tpu.memory_space<vmem_shared>>
      %dma_start3A_76 = arith.constant 0 : i32
      %dma_start3A_77 = tpu.memref_slice %arg10[%add3A_6, %dma_start3A_76] : memref<10240x80xf32, #tpu.memory_space<vmem_shared>> -> memref<128x80xf32, #tpu.memory_space<vmem_shared>>
      tpu.enqueue_dma source(%arg9 : memref<128x80xf32, #tpu.memory_space<vmem>>) target(%dma_start3A_77 : memref<128x80xf32, #tpu.memory_space<vmem_shared>>) target_semaphore(%run_scoped3A : memref<!tpu.dma_semaphore, #tpu.memory_space<semaphore_mem>>)
      %dma_wait3A_78 = arith.constant 0 : i32
      %dma_wait3A_79 = tpu.memref_slice %arg10[%add3A_6, %dma_wait3A_78] : memref<10240x80xf32, #tpu.memory_space<vmem_shared>> -> memref<128x80xf32, #tpu.memory_space<vmem_shared>>
      %dma_wait3A_80 = arith.constant 0 : i32
      %dma_wait3A_81 = tpu.memref_slice %arg10[%add3A_6, %dma_wait3A_80] : memref<10240x80xf32, #tpu.memory_space<vmem_shared>> -> memref<128x80xf32, #tpu.memory_space<vmem_shared>>
      tpu.wait_dma2 semaphore(%run_scoped3A : memref<!tpu.dma_semaphore, #tpu.memory_space<semaphore_mem>>) src(%arg9 : memref<128x80xf32, #tpu.memory_space<vmem>>) dst(%dma_wait3A_81 : memref<128x80xf32, #tpu.memory_space<vmem_shared>>)
      tpu.yield
    }) : () -> ()
    %mul3A_7 = arith.constant 640 : i32
    %mul3A_8 = arith.muli %arg1, %mul3A_7 : i32
    %add3A_9 = arith.constant 128 : i32
    %add3A_10 = arith.addi %mul3A_8, %add3A_9 : i32
    "tpu.region"() ({
      %run_scoped3A = tpu.sem_alloc : memref<!tpu.dma_semaphore, #tpu.memory_space<semaphore_mem>>
      %dma_start3A_74 = arith.constant 0 : i32
      %dma_start3A_75 = tpu.memref_slice %arg10[%add3A_10, %dma_start3A_74] : memref<10240x80xf32, #tpu.memory_space<vmem_shared>> -> memref<128x80xf32, #tpu.memory_space<vmem_shared>>
      %dma_start3A_76 = arith.constant 0 : i32
      %dma_start3A_77 = tpu.memref_slice %arg10[%add3A_10, %dma_start3A_76] : memref<10240x80xf32, #tpu.memory_space<vmem_shared>> -> memref<128x80xf32, #tpu.memory_space<vmem_shared>>
      tpu.enqueue_dma source(%arg9 : memref<128x80xf32, #tpu.memory_space<vmem>>) target(%dma_start3A_77 : memref<128x80xf32, #tpu.memory_space<vmem_shared>>) target_semaphore(%run_scoped3A : memref<!tpu.dma_semaphore, #tpu.memory_space<semaphore_mem>>)
      %dma_wait3A_78 = arith.constant 0 : i32
      %dma_wait3A_79 = tpu.memref_slice %arg10[%add3A_10, %dma_wait3A_78] : memref<10240x80xf32, #tpu.memory_space<vmem_shared>> -> memref<128x80xf32, #tpu.memory_space<vmem_shared>>
      %dma_wait3A_80 = arith.constant 0 : i32
      %dma_wait3A_81 = tpu.memref_slice %arg10[%add3A_10, %dma_wait3A_80] : memref<10240x80xf32, #tpu.memory_space<vmem_shared>> -> memref<128x80xf32, #tpu.memory_space<vmem_shared>>
      tpu.wait_dma2 semaphore(%run_scoped3A : memref<!tpu.dma_semaphore, #tpu.memory_space<semaphore_mem>>) src(%arg9 : memref<128x80xf32, #tpu.memory_space<vmem>>) dst(%dma_wait3A_81 : memref<128x80xf32, #tpu.memory_space<vmem_shared>>)
      tpu.yield
    }) : () -> ()
    %mul3A_11 = arith.constant 640 : i32
    %mul3A_12 = arith.muli %arg1, %mul3A_11 : i32
    %add3A_13 = arith.constant 256 : i32
    %add3A_14 = arith.addi %mul3A_12, %add3A_13 : i32
    "tpu.region"() ({
      %run_scoped3A = tpu.sem_alloc : memref<!tpu.dma_semaphore, #tpu.memory_space<semaphore_mem>>
      %dma_start3A_74 = arith.constant 0 : i32
      %dma_start3A_75 = tpu.memref_slice %arg10[%add3A_14, %dma_start3A_74] : memref<10240x80xf32, #tpu.memory_space<vmem_shared>> -> memref<128x80xf32, #tpu.memory_space<vmem_shared>>
      %dma_start3A_76 = arith.constant 0 : i32
      %dma_start3A_77 = tpu.memref_slice %arg10[%add3A_14, %dma_start3A_76] : memref<10240x80xf32, #tpu.memory_space<vmem_shared>> -> memref<128x80xf32, #tpu.memory_space<vmem_shared>>
      tpu.enqueue_dma source(%arg9 : memref<128x80xf32, #tpu.memory_space<vmem>>) target(%dma_start3A_77 : memref<128x80xf32, #tpu.memory_space<vmem_shared>>) target_semaphore(%run_scoped3A : memref<!tpu.dma_semaphore, #tpu.memory_space<semaphore_mem>>)
      %dma_wait3A_78 = arith.constant 0 : i32
      %dma_wait3A_79 = tpu.memref_slice %arg10[%add3A_14, %dma_wait3A_78] : memref<10240x80xf32, #tpu.memory_space<vmem_shared>> -> memref<128x80xf32, #tpu.memory_space<vmem_shared>>
      %dma_wait3A_80 = arith.constant 0 : i32
      %dma_wait3A_81 = tpu.memref_slice %arg10[%add3A_14, %dma_wait3A_80] : memref<10240x80xf32, #tpu.memory_space<vmem_shared>> -> memref<128x80xf32, #tpu.memory_space<vmem_shared>>
      tpu.wait_dma2 semaphore(%run_scoped3A : memref<!tpu.dma_semaphore, #tpu.memory_space<semaphore_mem>>) src(%arg9 : memref<128x80xf32, #tpu.memory_space<vmem>>) dst(%dma_wait3A_81 : memref<128x80xf32, #tpu.memory_space<vmem_shared>>)
      tpu.yield
    }) : () -> ()
    %mul3A_15 = arith.constant 640 : i32
    %mul3A_16 = arith.muli %arg1, %mul3A_15 : i32
    %add3A_17 = arith.constant 384 : i32
    %add3A_18 = arith.addi %mul3A_16, %add3A_17 : i32
    "tpu.region"() ({
      %run_scoped3A = tpu.sem_alloc : memref<!tpu.dma_semaphore, #tpu.memory_space<semaphore_mem>>
      %dma_start3A_74 = arith.constant 0 : i32
      %dma_start3A_75 = tpu.memref_slice %arg10[%add3A_18, %dma_start3A_74] : memref<10240x80xf32, #tpu.memory_space<vmem_shared>> -> memref<128x80xf32, #tpu.memory_space<vmem_shared>>
      %dma_start3A_76 = arith.constant 0 : i32
      %dma_start3A_77 = tpu.memref_slice %arg10[%add3A_18, %dma_start3A_76] : memref<10240x80xf32, #tpu.memory_space<vmem_shared>> -> memref<128x80xf32, #tpu.memory_space<vmem_shared>>
      tpu.enqueue_dma source(%arg9 : memref<128x80xf32, #tpu.memory_space<vmem>>) target(%dma_start3A_77 : memref<128x80xf32, #tpu.memory_space<vmem_shared>>) target_semaphore(%run_scoped3A : memref<!tpu.dma_semaphore, #tpu.memory_space<semaphore_mem>>)
      %dma_wait3A_78 = arith.constant 0 : i32
      %dma_wait3A_79 = tpu.memref_slice %arg10[%add3A_18, %dma_wait3A_78] : memref<10240x80xf32, #tpu.memory_space<vmem_shared>> -> memref<128x80xf32, #tpu.memory_space<vmem_shared>>
      %dma_wait3A_80 = arith.constant 0 : i32
      %dma_wait3A_81 = tpu.memref_slice %arg10[%add3A_18, %dma_wait3A_80] : memref<10240x80xf32, #tpu.memory_space<vmem_shared>> -> memref<128x80xf32, #tpu.memory_space<vmem_shared>>
      tpu.wait_dma2 semaphore(%run_scoped3A : memref<!tpu.dma_semaphore, #tpu.memory_space<semaphore_mem>>) src(%arg9 : memref<128x80xf32, #tpu.memory_space<vmem>>) dst(%dma_wait3A_81 : memref<128x80xf32, #tpu.memory_space<vmem_shared>>)
      tpu.yield
    }) : () -> ()
    %mul3A_19 = arith.constant 640 : i32
    %mul3A_20 = arith.muli %arg1, %mul3A_19 : i32
    %add3A_21 = arith.constant 512 : i32
    %add3A_22 = arith.addi %mul3A_20, %add3A_21 : i32
    "tpu.region"() ({
      %run_scoped3A = tpu.sem_alloc : memref<!tpu.dma_semaphore, #tpu.memory_space<semaphore_mem>>
      %dma_start3A_74 = arith.constant 0 : i32
      %dma_start3A_75 = tpu.memref_slice %arg10[%add3A_22, %dma_start3A_74] : memref<10240x80xf32, #tpu.memory_space<vmem_shared>> -> memref<128x80xf32, #tpu.memory_space<vmem_shared>>
      %dma_start3A_76 = arith.constant 0 : i32
      %dma_start3A_77 = tpu.memref_slice %arg10[%add3A_22, %dma_start3A_76] : memref<10240x80xf32, #tpu.memory_space<vmem_shared>> -> memref<128x80xf32, #tpu.memory_space<vmem_shared>>
      tpu.enqueue_dma source(%arg9 : memref<128x80xf32, #tpu.memory_space<vmem>>) target(%dma_start3A_77 : memref<128x80xf32, #tpu.memory_space<vmem_shared>>) target_semaphore(%run_scoped3A : memref<!tpu.dma_semaphore, #tpu.memory_space<semaphore_mem>>)
      %dma_wait3A_78 = arith.constant 0 : i32
      %dma_wait3A_79 = tpu.memref_slice %arg10[%add3A_22, %dma_wait3A_78] : memref<10240x80xf32, #tpu.memory_space<vmem_shared>> -> memref<128x80xf32, #tpu.memory_space<vmem_shared>>
      %dma_wait3A_80 = arith.constant 0 : i32
      %dma_wait3A_81 = tpu.memref_slice %arg10[%add3A_22, %dma_wait3A_80] : memref<10240x80xf32, #tpu.memory_space<vmem_shared>> -> memref<128x80xf32, #tpu.memory_space<vmem_shared>>
      tpu.wait_dma2 semaphore(%run_scoped3A : memref<!tpu.dma_semaphore, #tpu.memory_space<semaphore_mem>>) src(%arg9 : memref<128x80xf32, #tpu.memory_space<vmem>>) dst(%dma_wait3A_81 : memref<128x80xf32, #tpu.memory_space<vmem_shared>>)
      tpu.yield
    }) : () -> ()
    "tpu.region"() ({
      %run_scoped3A = tpu.sem_alloc : memref<!tpu.dma_semaphore, #tpu.memory_space<semaphore_mem>>
      %dma_start3A_74 = arith.constant 0 : i32
      %dma_start3A_75 = arith.constant 0 : i32
      %dma_start3A_76 = tpu.memref_slice %arg3[%arg0, %arg1, %dma_start3A_74, %dma_start3A_75] : memref<2x16x250x80xi32, #tpu.memory_space<hbm>> -> memref<1x1x250x80xi32, #tpu.memory_space<hbm>>
      %dma_start3A_77 = tpu.memref_squeeze %dma_start3A_76 : memref<1x1x250x80xi32, #tpu.memory_space<hbm>> -> memref<250x80xi32, #tpu.memory_space<hbm>>
      %dma_start3A_78 = arith.constant 0 : i32
      %dma_start3A_79 = arith.constant 0 : i32
      %dma_start3A_80 = tpu.memref_slice %arg3[%arg0, %arg1, %dma_start3A_78, %dma_start3A_79] : memref<2x16x250x80xi32, #tpu.memory_space<hbm>> -> memref<1x1x250x80xi32, #tpu.memory_space<hbm>>
      %dma_start3A_81 = tpu.memref_squeeze %dma_start3A_80 : memref<1x1x250x80xi32, #tpu.memory_space<hbm>> -> memref<250x80xi32, #tpu.memory_space<hbm>>
      tpu.enqueue_dma source(%dma_start3A_81 : memref<250x80xi32, #tpu.memory_space<hbm>>) target(%arg6 : memref<250x80xi32, #tpu.memory_space<vmem>>) target_semaphore(%run_scoped3A : memref<!tpu.dma_semaphore, #tpu.memory_space<semaphore_mem>>)
      %dma_wait3A_82 = arith.constant 0 : i32
      %dma_wait3A_83 = arith.constant 0 : i32
      %dma_wait3A_84 = tpu.memref_slice %arg3[%arg0, %arg1, %dma_wait3A_82, %dma_wait3A_83] : memref<2x16x250x80xi32, #tpu.memory_space<hbm>> -> memref<1x1x250x80xi32, #tpu.memory_space<hbm>>
      %dma_wait3A_85 = tpu.memref_squeeze %dma_wait3A_84 : memref<1x1x250x80xi32, #tpu.memory_space<hbm>> -> memref<250x80xi32, #tpu.memory_space<hbm>>
      %dma_wait3A_86 = arith.constant 0 : i32
      %dma_wait3A_87 = arith.constant 0 : i32
      %dma_wait3A_88 = tpu.memref_slice %arg3[%arg0, %arg1, %dma_wait3A_86, %dma_wait3A_87] : memref<2x16x250x80xi32, #tpu.memory_space<hbm>> -> memref<1x1x250x80xi32, #tpu.memory_space<hbm>>
      %dma_wait3A_89 = tpu.memref_squeeze %dma_wait3A_88 : memref<1x1x250x80xi32, #tpu.memory_space<hbm>> -> memref<250x80xi32, #tpu.memory_space<hbm>>
      tpu.wait_dma2 semaphore(%run_scoped3A : memref<!tpu.dma_semaphore, #tpu.memory_space<semaphore_mem>>) src(%dma_wait3A_89 : memref<250x80xi32, #tpu.memory_space<hbm>>) dst(%arg6 : memref<250x80xi32, #tpu.memory_space<vmem>>)
      tpu.yield
    }) : () -> ()
    "tpu.region"() ({
      %run_scoped3A = tpu.sem_alloc : memref<!tpu.dma_semaphore, #tpu.memory_space<semaphore_mem>>
      %dma_start3A_74 = arith.constant 0 : i32
      %dma_start3A_75 = arith.constant 0 : i32
      %dma_start3A_76 = tpu.memref_slice %arg4[%arg1, %dma_start3A_74, %dma_start3A_75] : memref<16x250x80xi32, #tpu.memory_space<hbm>> -> memref<1x250x80xi32, #tpu.memory_space<hbm>>
      %dma_start3A_77 = tpu.memref_squeeze %dma_start3A_76 : memref<1x250x80xi32, #tpu.memory_space<hbm>> -> memref<250x80xi32, #tpu.memory_space<hbm>>
      %dma_start3A_78 = arith.constant 0 : i32
      %dma_start3A_79 = arith.constant 0 : i32
      %dma_start3A_80 = tpu.memref_slice %arg4[%arg1, %dma_start3A_78, %dma_start3A_79] : memref<16x250x80xi32, #tpu.memory_space<hbm>> -> memref<1x250x80xi32, #tpu.memory_space<hbm>>
      %dma_start3A_81 = tpu.memref_squeeze %dma_start3A_80 : memref<1x250x80xi32, #tpu.memory_space<hbm>> -> memref<250x80xi32, #tpu.memory_space<hbm>>
      tpu.enqueue_dma source(%dma_start3A_81 : memref<250x80xi32, #tpu.memory_space<hbm>>) target(%arg7 : memref<250x80xi32, #tpu.memory_space<vmem>>) target_semaphore(%run_scoped3A : memref<!tpu.dma_semaphore, #tpu.memory_space<semaphore_mem>>)
      %dma_wait3A_82 = arith.constant 0 : i32
      %dma_wait3A_83 = arith.constant 0 : i32
      %dma_wait3A_84 = tpu.memref_slice %arg4[%arg1, %dma_wait3A_82, %dma_wait3A_83] : memref<16x250x80xi32, #tpu.memory_space<hbm>> -> memref<1x250x80xi32, #tpu.memory_space<hbm>>
      %dma_wait3A_85 = tpu.memref_squeeze %dma_wait3A_84 : memref<1x250x80xi32, #tpu.memory_space<hbm>> -> memref<250x80xi32, #tpu.memory_space<hbm>>
      %dma_wait3A_86 = arith.constant 0 : i32
      %dma_wait3A_87 = arith.constant 0 : i32
      %dma_wait3A_88 = tpu.memref_slice %arg4[%arg1, %dma_wait3A_86, %dma_wait3A_87] : memref<16x250x80xi32, #tpu.memory_space<hbm>> -> memref<1x250x80xi32, #tpu.memory_space<hbm>>
      %dma_wait3A_89 = tpu.memref_squeeze %dma_wait3A_88 : memref<1x250x80xi32, #tpu.memory_space<hbm>> -> memref<250x80xi32, #tpu.memory_space<hbm>>
      tpu.wait_dma2 semaphore(%run_scoped3A : memref<!tpu.dma_semaphore, #tpu.memory_space<semaphore_mem>>) src(%dma_wait3A_89 : memref<250x80xi32, #tpu.memory_space<hbm>>) dst(%arg7 : memref<250x80xi32, #tpu.memory_space<vmem>>)
      tpu.yield
    }) : () -> ()
    %barrier3A = arith.constant 0 : index
    tpu.barrier barrier_id(%barrier3A)
    %dma_start3A = arith.constant 0 : i32
    %dma_start3A_23 = arith.constant 0 : i32
    %dma_start3A_24 = arith.constant 0 : i32
    %dma_start3A_25 = tpu.memref_slice %arg8[%dma_start3A_23, %dma_start3A_24] : memref<320x80xf32, #tpu.memory_space<vmem>> -> memref<80x80xf32, #tpu.memory_space<vmem>>
    %dma_start3A_26 = arith.constant 0 : i32
    %dma_start3A_27 = tpu.memref_slice %arg6[%dma_start3A, %dma_start3A_26] : memref<250x80xi32, #tpu.memory_space<vmem>> -> memref<1x80xi32, #tpu.memory_space<vmem>>
    %dma_start3A_28 = tpu.memref_squeeze %dma_start3A_27 : memref<1x80xi32, #tpu.memory_space<vmem>> -> memref<80xi32, #tpu.memory_space<vmem>>
    %dma_start3A_29 = arith.constant 0 : i32
    %dma_start3A_30 = arith.constant 0 : i32
    %dma_start3A_31 = tpu.memref_slice %arg2[%dma_start3A_29, %dma_start3A_30] : memref<20480x80xf32, #tpu.memory_space<hbm>> -> memref<20480x80xf32, #tpu.memory_space<hbm>>
    tpu.enqueue_indirect_dma source(%dma_start3A_31 : memref<20480x80xf32, #tpu.memory_space<hbm>>) target(%dma_start3A_25 : memref<80x80xf32, #tpu.memory_space<vmem>>) offsets(%dma_start3A_28 : memref<80xi32, #tpu.memory_space<vmem>>) semaphore(%arg11 : memref<!tpu.dma_semaphore, #tpu.memory_space<semaphore_mem>>)
    %dma_start3A_32 = arith.constant 1 : i32
    %dma_start3A_33 = arith.constant 80 : i32
    %dma_start3A_34 = arith.constant 0 : i32
    %dma_start3A_35 = tpu.memref_slice %arg8[%dma_start3A_33, %dma_start3A_34] : memref<320x80xf32, #tpu.memory_space<vmem>> -> memref<80x80xf32, #tpu.memory_space<vmem>>
    %dma_start3A_36 = arith.constant 0 : i32
    %dma_start3A_37 = tpu.memref_slice %arg6[%dma_start3A_32, %dma_start3A_36] : memref<250x80xi32, #tpu.memory_space<vmem>> -> memref<1x80xi32, #tpu.memory_space<vmem>>
    %dma_start3A_38 = tpu.memref_squeeze %dma_start3A_37 : memref<1x80xi32, #tpu.memory_space<vmem>> -> memref<80xi32, #tpu.memory_space<vmem>>
    %dma_start3A_39 = arith.constant 0 : i32
    %dma_start3A_40 = arith.constant 0 : i32
    %dma_start3A_41 = tpu.memref_slice %arg2[%dma_start3A_39, %dma_start3A_40] : memref<20480x80xf32, #tpu.memory_space<hbm>> -> memref<20480x80xf32, #tpu.memory_space<hbm>>
    tpu.enqueue_indirect_dma source(%dma_start3A_41 : memref<20480x80xf32, #tpu.memory_space<hbm>>) target(%dma_start3A_35 : memref<80x80xf32, #tpu.memory_space<vmem>>) offsets(%dma_start3A_38 : memref<80xi32, #tpu.memory_space<vmem>>) semaphore(%arg11 : memref<!tpu.dma_semaphore, #tpu.memory_space<semaphore_mem>>)
    %scan3A_42 = arith.constant 0 : i32
    %scan3A_43 = arith.constant 250 : i32
    %scan3A_44 = arith.addi %scan3A_42, %scan3A_43 : i32
    %scan3A_45 = arith.constant 2 : i32
    scf.for %scan3A_74 = %scan3A_42 to %scan3A_44 step %scan3A_45  : i32 {
      %mul3A_75 = arith.constant 1 : i32
      %mul3A_76 = arith.muli %scan3A_74, %mul3A_75 : i32
      %add3A_77 = arith.constant 0 : i32
      %add3A_78 = arith.addi %add3A_77, %mul3A_76 : i32
      %and3A = arith.constant 3 : i32
      %and3A_79 = arith.andi %add3A_78, %and3A : i32
      %mul3A_80 = arith.constant 80 : i32
      %mul3A_81 = arith.muli %and3A_79, %mul3A_80 : i32
      %add3A_82 = arith.constant 2 : i32
      %add3A_83 = arith.addi %add3A_78, %add3A_82 : i32
      %and3A_84 = arith.constant 3 : i32
      %and3A_85 = arith.andi %add3A_83, %and3A_84 : i32
      %mul3A_86 = arith.constant 80 : i32
      %mul3A_87 = arith.muli %and3A_85, %mul3A_86 : i32
      %ge3A = arith.constant 2 : i32
      %ge3A_88 = arith.cmpi sge, %add3A_78, %ge3A : i32
      %convert_element_type3A = arith.extui %ge3A_88 : i1 to i32
      %cond3A = arith.constant 0 : i32
      %cond3A_89 = arith.cmpi ne, %convert_element_type3A, %cond3A : i32
      scf.if %cond3A_89 {
        %sub3A = arith.constant 2 : i32
        %sub3A_152 = arith.subi %add3A_78, %sub3A : i32
        %dma_wait3A_153 = arith.constant 0 : i32
        %dma_wait3A_154 = tpu.memref_slice %arg8[%mul3A_87, %dma_wait3A_153] : memref<320x80xf32, #tpu.memory_space<vmem>> -> memref<80x80xf32, #tpu.memory_space<vmem>>
        %dma_wait3A_155 = arith.constant 0 : i32
        %dma_wait3A_156 = tpu.memref_slice %arg7[%sub3A_152, %dma_wait3A_155] : memref<250x80xi32, #tpu.memory_space<vmem>> -> memref<1x80xi32, #tpu.memory_space<vmem>>
        %dma_wait3A_157 = tpu.memref_squeeze %dma_wait3A_156 : memref<1x80xi32, #tpu.memory_space<vmem>> -> memref<80xi32, #tpu.memory_space<vmem>>
        %dma_wait3A_158 = arith.constant 0 : i32
        %dma_wait3A_159 = arith.constant 0 : i32
        %dma_wait3A_160 = tpu.memref_slice %arg10[%dma_wait3A_158, %dma_wait3A_159] : memref<10240x80xf32, #tpu.memory_space<vmem_shared>> -> memref<10240x80xf32, #tpu.memory_space<vmem_shared>>
        tpu.wait_indirect_dma semaphore(%arg12 : memref<!tpu.dma_semaphore, #tpu.memory_space<semaphore_mem>>) src(%dma_wait3A_154 : memref<80x80xf32, #tpu.memory_space<vmem>>) dst(%dma_wait3A_160 : memref<10240x80xf32, #tpu.memory_space<vmem_shared>>)
      } else {
      }
      %lt3A = arith.constant 248 : i32
      %lt3A_90 = arith.cmpi slt, %add3A_78, %lt3A : i32
      %convert_element_type3A_91 = arith.extui %lt3A_90 : i1 to i32
      %cond3A_92 = arith.constant 0 : i32
      %cond3A_93 = arith.cmpi ne, %convert_element_type3A_91, %cond3A_92 : i32
      scf.if %cond3A_93 {
        %add3A_152 = arith.constant 2 : i32
        %add3A_153 = arith.addi %add3A_78, %add3A_152 : i32
        %dma_start3A_154 = arith.constant 0 : i32
        %dma_start3A_155 = tpu.memref_slice %arg8[%mul3A_87, %dma_start3A_154] : memref<320x80xf32, #tpu.memory_space<vmem>> -> memref<80x80xf32, #tpu.memory_space<vmem>>
        %dma_start3A_156 = arith.constant 0 : i32
        %dma_start3A_157 = tpu.memref_slice %arg6[%add3A_153, %dma_start3A_156] : memref<250x80xi32, #tpu.memory_space<vmem>> -> memref<1x80xi32, #tpu.memory_space<vmem>>
        %dma_start3A_158 = tpu.memref_squeeze %dma_start3A_157 : memref<1x80xi32, #tpu.memory_space<vmem>> -> memref<80xi32, #tpu.memory_space<vmem>>
        %dma_start3A_159 = arith.constant 0 : i32
        %dma_start3A_160 = arith.constant 0 : i32
        %dma_start3A_161 = tpu.memref_slice %arg2[%dma_start3A_159, %dma_start3A_160] : memref<20480x80xf32, #tpu.memory_space<hbm>> -> memref<20480x80xf32, #tpu.memory_space<hbm>>
        tpu.enqueue_indirect_dma source(%dma_start3A_161 : memref<20480x80xf32, #tpu.memory_space<hbm>>) target(%dma_start3A_155 : memref<80x80xf32, #tpu.memory_space<vmem>>) offsets(%dma_start3A_158 : memref<80xi32, #tpu.memory_space<vmem>>) semaphore(%arg11 : memref<!tpu.dma_semaphore, #tpu.memory_space<semaphore_mem>>)
      } else {
      }
      %dma_wait3A_94 = arith.constant 0 : i32
      %dma_wait3A_95 = tpu.memref_slice %arg8[%mul3A_81, %dma_wait3A_94] : memref<320x80xf32, #tpu.memory_space<vmem>> -> memref<80x80xf32, #tpu.memory_space<vmem>>
      %dma_wait3A_96 = arith.constant 0 : i32
      %dma_wait3A_97 = tpu.memref_slice %arg6[%add3A_78, %dma_wait3A_96] : memref<250x80xi32, #tpu.memory_space<vmem>> -> memref<1x80xi32, #tpu.memory_space<vmem>>
      %dma_wait3A_98 = tpu.memref_squeeze %dma_wait3A_97 : memref<1x80xi32, #tpu.memory_space<vmem>> -> memref<80xi32, #tpu.memory_space<vmem>>
      %dma_wait3A_99 = arith.constant 0 : i32
      %dma_wait3A_100 = arith.constant 0 : i32
      %dma_wait3A_101 = tpu.memref_slice %arg2[%dma_wait3A_99, %dma_wait3A_100] : memref<20480x80xf32, #tpu.memory_space<hbm>> -> memref<20480x80xf32, #tpu.memory_space<hbm>>
      tpu.wait_indirect_dma semaphore(%arg11 : memref<!tpu.dma_semaphore, #tpu.memory_space<semaphore_mem>>) src(%dma_wait3A_101 : memref<20480x80xf32, #tpu.memory_space<hbm>>) dst(%dma_wait3A_95 : memref<80x80xf32, #tpu.memory_space<vmem>>)
      %dma_start3A_102 = arith.constant 0 : i32
      %dma_start3A_103 = tpu.memref_slice %arg8[%mul3A_81, %dma_start3A_102] : memref<320x80xf32, #tpu.memory_space<vmem>> -> memref<80x80xf32, #tpu.memory_space<vmem>>
      %dma_start3A_104 = arith.constant 0 : i32
      %dma_start3A_105 = tpu.memref_slice %arg7[%add3A_78, %dma_start3A_104] : memref<250x80xi32, #tpu.memory_space<vmem>> -> memref<1x80xi32, #tpu.memory_space<vmem>>
      %dma_start3A_106 = tpu.memref_squeeze %dma_start3A_105 : memref<1x80xi32, #tpu.memory_space<vmem>> -> memref<80xi32, #tpu.memory_space<vmem>>
      %dma_start3A_107 = arith.constant 0 : i32
      %dma_start3A_108 = arith.constant 0 : i32
      %dma_start3A_109 = tpu.memref_slice %arg10[%dma_start3A_107, %dma_start3A_108] : memref<10240x80xf32, #tpu.memory_space<vmem_shared>> -> memref<10240x80xf32, #tpu.memory_space<vmem_shared>>
      tpu.enqueue_indirect_dma source(%dma_start3A_103 : memref<80x80xf32, #tpu.memory_space<vmem>>) target(%dma_start3A_109 : memref<10240x80xf32, #tpu.memory_space<vmem_shared>>) offsets(%dma_start3A_106 : memref<80xi32, #tpu.memory_space<vmem>>) semaphore(%arg12 : memref<!tpu.dma_semaphore, #tpu.memory_space<semaphore_mem>>) {add = true}
      %scan3A_110 = arith.constant 1 : i32
      %scan3A_111 = arith.addi %scan3A_74, %scan3A_110 : i32
      %mul3A_112 = arith.constant 1 : i32
      %mul3A_113 = arith.muli %scan3A_111, %mul3A_112 : i32
      %add3A_114 = arith.constant 0 : i32
      %add3A_115 = arith.addi %add3A_114, %mul3A_113 : i32
      %and3A_116 = arith.constant 3 : i32
      %and3A_117 = arith.andi %add3A_115, %and3A_116 : i32
      %mul3A_118 = arith.constant 80 : i32
      %mul3A_119 = arith.muli %and3A_117, %mul3A_118 : i32
      %add3A_120 = arith.constant 2 : i32
      %add3A_121 = arith.addi %add3A_115, %add3A_120 : i32
      %and3A_122 = arith.constant 3 : i32
      %and3A_123 = arith.andi %add3A_121, %and3A_122 : i32
      %mul3A_124 = arith.constant 80 : i32
      %mul3A_125 = arith.muli %and3A_123, %mul3A_124 : i32
      %ge3A_126 = arith.constant 2 : i32
      %ge3A_127 = arith.cmpi sge, %add3A_115, %ge3A_126 : i32
      %convert_element_type3A_128 = arith.extui %ge3A_127 : i1 to i32
      %cond3A_129 = arith.constant 0 : i32
      %cond3A_130 = arith.cmpi ne, %convert_element_type3A_128, %cond3A_129 : i32
      scf.if %cond3A_130 {
        %sub3A = arith.constant 2 : i32
        %sub3A_152 = arith.subi %add3A_115, %sub3A : i32
        %dma_wait3A_153 = arith.constant 0 : i32
        %dma_wait3A_154 = tpu.memref_slice %arg8[%mul3A_125, %dma_wait3A_153] : memref<320x80xf32, #tpu.memory_space<vmem>> -> memref<80x80xf32, #tpu.memory_space<vmem>>
        %dma_wait3A_155 = arith.constant 0 : i32
        %dma_wait3A_156 = tpu.memref_slice %arg7[%sub3A_152, %dma_wait3A_155] : memref<250x80xi32, #tpu.memory_space<vmem>> -> memref<1x80xi32, #tpu.memory_space<vmem>>
        %dma_wait3A_157 = tpu.memref_squeeze %dma_wait3A_156 : memref<1x80xi32, #tpu.memory_space<vmem>> -> memref<80xi32, #tpu.memory_space<vmem>>
        %dma_wait3A_158 = arith.constant 0 : i32
        %dma_wait3A_159 = arith.constant 0 : i32
        %dma_wait3A_160 = tpu.memref_slice %arg10[%dma_wait3A_158, %dma_wait3A_159] : memref<10240x80xf32, #tpu.memory_space<vmem_shared>> -> memref<10240x80xf32, #tpu.memory_space<vmem_shared>>
        tpu.wait_indirect_dma semaphore(%arg12 : memref<!tpu.dma_semaphore, #tpu.memory_space<semaphore_mem>>) src(%dma_wait3A_154 : memref<80x80xf32, #tpu.memory_space<vmem>>) dst(%dma_wait3A_160 : memref<10240x80xf32, #tpu.memory_space<vmem_shared>>)
      } else {
      }
      %lt3A_131 = arith.constant 248 : i32
      %lt3A_132 = arith.cmpi slt, %add3A_115, %lt3A_131 : i32
      %convert_element_type3A_133 = arith.extui %lt3A_132 : i1 to i32
      %cond3A_134 = arith.constant 0 : i32
      %cond3A_135 = arith.cmpi ne, %convert_element_type3A_133, %cond3A_134 : i32
      scf.if %cond3A_135 {
        %add3A_152 = arith.constant 2 : i32
        %add3A_153 = arith.addi %add3A_115, %add3A_152 : i32
        %dma_start3A_154 = arith.constant 0 : i32
        %dma_start3A_155 = tpu.memref_slice %arg8[%mul3A_125, %dma_start3A_154] : memref<320x80xf32, #tpu.memory_space<vmem>> -> memref<80x80xf32, #tpu.memory_space<vmem>>
        %dma_start3A_156 = arith.constant 0 : i32
        %dma_start3A_157 = tpu.memref_slice %arg6[%add3A_153, %dma_start3A_156] : memref<250x80xi32, #tpu.memory_space<vmem>> -> memref<1x80xi32, #tpu.memory_space<vmem>>
        %dma_start3A_158 = tpu.memref_squeeze %dma_start3A_157 : memref<1x80xi32, #tpu.memory_space<vmem>> -> memref<80xi32, #tpu.memory_space<vmem>>
        %dma_start3A_159 = arith.constant 0 : i32
        %dma_start3A_160 = arith.constant 0 : i32
        %dma_start3A_161 = tpu.memref_slice %arg2[%dma_start3A_159, %dma_start3A_160] : memref<20480x80xf32, #tpu.memory_space<hbm>> -> memref<20480x80xf32, #tpu.memory_space<hbm>>
        tpu.enqueue_indirect_dma source(%dma_start3A_161 : memref<20480x80xf32, #tpu.memory_space<hbm>>) target(%dma_start3A_155 : memref<80x80xf32, #tpu.memory_space<vmem>>) offsets(%dma_start3A_158 : memref<80xi32, #tpu.memory_space<vmem>>) semaphore(%arg11 : memref<!tpu.dma_semaphore, #tpu.memory_space<semaphore_mem>>)
      } else {
      }
      %dma_wait3A_136 = arith.constant 0 : i32
      %dma_wait3A_137 = tpu.memref_slice %arg8[%mul3A_119, %dma_wait3A_136] : memref<320x80xf32, #tpu.memory_space<vmem>> -> memref<80x80xf32, #tpu.memory_space<vmem>>
      %dma_wait3A_138 = arith.constant 0 : i32
      %dma_wait3A_139 = tpu.memref_slice %arg6[%add3A_115, %dma_wait3A_138] : memref<250x80xi32, #tpu.memory_space<vmem>> -> memref<1x80xi32, #tpu.memory_space<vmem>>
      %dma_wait3A_140 = tpu.memref_squeeze %dma_wait3A_139 : memref<1x80xi32, #tpu.memory_space<vmem>> -> memref<80xi32, #tpu.memory_space<vmem>>
      %dma_wait3A_141 = arith.constant 0 : i32
      %dma_wait3A_142 = arith.constant 0 : i32
      %dma_wait3A_143 = tpu.memref_slice %arg2[%dma_wait3A_141, %dma_wait3A_142] : memref<20480x80xf32, #tpu.memory_space<hbm>> -> memref<20480x80xf32, #tpu.memory_space<hbm>>
      tpu.wait_indirect_dma semaphore(%arg11 : memref<!tpu.dma_semaphore, #tpu.memory_space<semaphore_mem>>) src(%dma_wait3A_143 : memref<20480x80xf32, #tpu.memory_space<hbm>>) dst(%dma_wait3A_137 : memref<80x80xf32, #tpu.memory_space<vmem>>)
      %dma_start3A_144 = arith.constant 0 : i32
      %dma_start3A_145 = tpu.memref_slice %arg8[%mul3A_119, %dma_start3A_144] : memref<320x80xf32, #tpu.memory_space<vmem>> -> memref<80x80xf32, #tpu.memory_space<vmem>>
      %dma_start3A_146 = arith.constant 0 : i32
      %dma_start3A_147 = tpu.memref_slice %arg7[%add3A_115, %dma_start3A_146] : memref<250x80xi32, #tpu.memory_space<vmem>> -> memref<1x80xi32, #tpu.memory_space<vmem>>
      %dma_start3A_148 = tpu.memref_squeeze %dma_start3A_147 : memref<1x80xi32, #tpu.memory_space<vmem>> -> memref<80xi32, #tpu.memory_space<vmem>>
      %dma_start3A_149 = arith.constant 0 : i32
      %dma_start3A_150 = arith.constant 0 : i32
      %dma_start3A_151 = tpu.memref_slice %arg10[%dma_start3A_149, %dma_start3A_150] : memref<10240x80xf32, #tpu.memory_space<vmem_shared>> -> memref<10240x80xf32, #tpu.memory_space<vmem_shared>>
      tpu.enqueue_indirect_dma source(%dma_start3A_145 : memref<80x80xf32, #tpu.memory_space<vmem>>) target(%dma_start3A_151 : memref<10240x80xf32, #tpu.memory_space<vmem_shared>>) offsets(%dma_start3A_148 : memref<80xi32, #tpu.memory_space<vmem>>) semaphore(%arg12 : memref<!tpu.dma_semaphore, #tpu.memory_space<semaphore_mem>>) {add = true}
    }
    %scan3A_46 = arith.constant 250 : i32
    %dma_wait3A = arith.constant 248 : i32
    %dma_wait3A_47 = arith.constant 0 : i32
    %dma_wait3A_48 = arith.constant 0 : i32
    %dma_wait3A_49 = tpu.memref_slice %arg8[%dma_wait3A_47, %dma_wait3A_48] : memref<320x80xf32, #tpu.memory_space<vmem>> -> memref<80x80xf32, #tpu.memory_space<vmem>>
    %dma_wait3A_50 = arith.constant 0 : i32
    %dma_wait3A_51 = tpu.memref_slice %arg7[%dma_wait3A, %dma_wait3A_50] : memref<250x80xi32, #tpu.memory_space<vmem>> -> memref<1x80xi32, #tpu.memory_space<vmem>>
    %dma_wait3A_52 = tpu.memref_squeeze %dma_wait3A_51 : memref<1x80xi32, #tpu.memory_space<vmem>> -> memref<80xi32, #tpu.memory_space<vmem>>
    %dma_wait3A_53 = arith.constant 0 : i32
    %dma_wait3A_54 = arith.constant 0 : i32
    %dma_wait3A_55 = tpu.memref_slice %arg10[%dma_wait3A_53, %dma_wait3A_54] : memref<10240x80xf32, #tpu.memory_space<vmem_shared>> -> memref<10240x80xf32, #tpu.memory_space<vmem_shared>>
    tpu.wait_indirect_dma semaphore(%arg12 : memref<!tpu.dma_semaphore, #tpu.memory_space<semaphore_mem>>) src(%dma_wait3A_49 : memref<80x80xf32, #tpu.memory_space<vmem>>) dst(%dma_wait3A_55 : memref<10240x80xf32, #tpu.memory_space<vmem_shared>>)
    %dma_wait3A_56 = arith.constant 249 : i32
    %dma_wait3A_57 = arith.constant 80 : i32
    %dma_wait3A_58 = arith.constant 0 : i32
    %dma_wait3A_59 = tpu.memref_slice %arg8[%dma_wait3A_57, %dma_wait3A_58] : memref<320x80xf32, #tpu.memory_space<vmem>> -> memref<80x80xf32, #tpu.memory_space<vmem>>
    %dma_wait3A_60 = arith.constant 0 : i32
    %dma_wait3A_61 = tpu.memref_slice %arg7[%dma_wait3A_56, %dma_wait3A_60] : memref<250x80xi32, #tpu.memory_space<vmem>> -> memref<1x80xi32, #tpu.memory_space<vmem>>
    %dma_wait3A_62 = tpu.memref_squeeze %dma_wait3A_61 : memref<1x80xi32, #tpu.memory_space<vmem>> -> memref<80xi32, #tpu.memory_space<vmem>>
    %dma_wait3A_63 = arith.constant 0 : i32
    %dma_wait3A_64 = arith.constant 0 : i32
    %dma_wait3A_65 = tpu.memref_slice %arg10[%dma_wait3A_63, %dma_wait3A_64] : memref<10240x80xf32, #tpu.memory_space<vmem_shared>> -> memref<10240x80xf32, #tpu.memory_space<vmem_shared>>
    tpu.wait_indirect_dma semaphore(%arg12 : memref<!tpu.dma_semaphore, #tpu.memory_space<semaphore_mem>>) src(%dma_wait3A_59 : memref<80x80xf32, #tpu.memory_space<vmem>>) dst(%dma_wait3A_65 : memref<10240x80xf32, #tpu.memory_space<vmem_shared>>)
    %barrier3A_66 = arith.constant 0 : index
    tpu.barrier barrier_id(%barrier3A_66)
    %mul3A_67 = arith.constant 640 : i32
    %mul3A_68 = arith.muli %arg1, %mul3A_67 : i32
    %mul3A_69 = arith.constant 10240 : i32
    %mul3A_70 = arith.muli %arg0, %mul3A_69 : i32
    %mul3A_71 = arith.constant 640 : i32
    %mul3A_72 = arith.muli %arg1, %mul3A_71 : i32
    %add3A_73 = arith.addi %mul3A_70, %mul3A_72 : i32
    "tpu.region"() ({
      %run_scoped3A = tpu.sem_alloc : memref<!tpu.dma_semaphore, #tpu.memory_space<semaphore_mem>>
      %dma_start3A_74 = arith.constant 0 : i32
      %dma_start3A_75 = tpu.memref_slice %arg5[%add3A_73, %dma_start3A_74] : memref<20480x80xf32, #tpu.memory_space<hbm>> -> memref<640x80xf32, #tpu.memory_space<hbm>>
      %dma_start3A_76 = arith.constant 0 : i32
      %dma_start3A_77 = tpu.memref_slice %arg10[%mul3A_68, %dma_start3A_76] : memref<10240x80xf32, #tpu.memory_space<vmem_shared>> -> memref<640x80xf32, #tpu.memory_space<vmem_shared>>
      tpu.enqueue_dma source(%dma_start3A_77 : memref<640x80xf32, #tpu.memory_space<vmem_shared>>) target(%dma_start3A_75 : memref<640x80xf32, #tpu.memory_space<hbm>>) target_semaphore(%run_scoped3A : memref<!tpu.dma_semaphore, #tpu.memory_space<semaphore_mem>>)
      %dma_wait3A_78 = arith.constant 0 : i32
      %dma_wait3A_79 = tpu.memref_slice %arg5[%add3A_73, %dma_wait3A_78] : memref<20480x80xf32, #tpu.memory_space<hbm>> -> memref<640x80xf32, #tpu.memory_space<hbm>>
      %dma_wait3A_80 = arith.constant 0 : i32
      %dma_wait3A_81 = tpu.memref_slice %arg10[%mul3A_68, %dma_wait3A_80] : memref<10240x80xf32, #tpu.memory_space<vmem_shared>> -> memref<640x80xf32, #tpu.memory_space<vmem_shared>>
      tpu.wait_dma2 semaphore(%run_scoped3A : memref<!tpu.dma_semaphore, #tpu.memory_space<semaphore_mem>>) src(%dma_wait3A_81 : memref<640x80xf32, #tpu.memory_space<vmem_shared>>) dst(%dma_wait3A_79 : memref<640x80xf32, #tpu.memory_space<hbm>>)
      tpu.yield
    }) : () -> ()
    return
  }
}

#map = affine_map<(d0, d1) -> (0, 0)>
#map1 = affine_map<(d0, d1) -> (0, 0, 0, 0)>
#map2 = affine_map<(d0, d1) -> (0, 0, 0)>
module attributes {stable_mosaic.version = 14 : i64} {
  func.func @pass_kernel(%arg0: i32, %arg1: i32, %arg2: memref<20480x64xf32, #tpu.memory_space<hbm>>, %arg3: memref<2x16x250x80xi32, #tpu.memory_space<hbm>>, %arg4: memref<16x250x80xi32, #tpu.memory_space<hbm>>, %arg5: memref<20480x64xf32, #tpu.memory_space<hbm>>, %arg6: memref<250x80xi32, #tpu.memory_space<vmem>>, %arg7: memref<250x80xi32, #tpu.memory_space<vmem>>, %arg8: memref<320x64xf32, #tpu.memory_space<vmem>>, %arg9: memref<128x64xf32, #tpu.memory_space<vmem>>, %arg10: memref<10240x64xf32, #tpu.memory_space<vmem_shared>>, %arg11: memref<!tpu.dma_semaphore, #tpu.memory_space<semaphore_mem>>, %arg12: memref<!tpu.dma_semaphore, #tpu.memory_space<semaphore_mem>>) attributes {dimension_semantics = [#tpu.dimension_semantics<core_parallel>, #tpu.dimension_semantics<subcore_parallel>], iteration_bounds = array<i64: 2, 16>, scalar_prefetch = 0 : i64, scratch_operands = 7 : i64, tpu.core_type = #tpu.core_type<sc_vector_subcore>, window_params = [{transform_indices = #map}, {transform_indices = #map1}, {transform_indices = #map2}, {transform_indices = #map}]} {
    %broadcast_in_dim3A = arith.constant 0.000000e+00 : f32
    %broadcast_in_dim3A_0 = vector.broadcast %broadcast_in_dim3A : f32 to vector<16xf32>
    %scan3A = arith.constant 0 : i32
    %scan3A_1 = arith.constant 128 : i32
    %scan3A_2 = arith.addi %scan3A, %scan3A_1 : i32
    %scan3A_3 = arith.constant 1 : i32
    scf.for %scan3A_74 = %scan3A to %scan3A_2 step %scan3A_3  : i32 {
      %mul3A_75 = arith.constant 1 : i32
      %mul3A_76 = arith.muli %scan3A_74, %mul3A_75 : i32
      %add3A_77 = arith.constant 0 : i32
      %add3A_78 = arith.addi %add3A_77, %mul3A_76 : i32
      %swap3A = arith.index_cast %add3A_78 : i32 to index
      %swap3A_79 = arith.constant 0 : index
      %swap3A_80 = tpu.vector_load %arg9[%swap3A, %swap3A_79] {strides = array<i32>} : memref<128x64xf32, #tpu.memory_space<vmem>>, vector<1x16xf32>,
      %swap3A_81 = vector.shape_cast %swap3A_80 : vector<1x16xf32> to vector<16xf32>
      %swap3A_82 = vector.shape_cast %broadcast_in_dim3A_0 : vector<16xf32> to vector<1x16xf32>
      tpu.vector_store %arg9[%swap3A, %swap3A_79], %swap3A_82 {strides = array<i32>} : memref<128x64xf32, #tpu.memory_space<vmem>>, vector<1x16xf32>,
      %swap3A_83 = arith.index_cast %add3A_78 : i32 to index
      %swap3A_84 = arith.constant 16 : index
      %swap3A_85 = tpu.vector_load %arg9[%swap3A_83, %swap3A_84] {strides = array<i32>} : memref<128x64xf32, #tpu.memory_space<vmem>>, vector<1x16xf32>,
      %swap3A_86 = vector.shape_cast %swap3A_85 : vector<1x16xf32> to vector<16xf32>
      %swap3A_87 = vector.shape_cast %broadcast_in_dim3A_0 : vector<16xf32> to vector<1x16xf32>
      tpu.vector_store %arg9[%swap3A_83, %swap3A_84], %swap3A_87 {strides = array<i32>} : memref<128x64xf32, #tpu.memory_space<vmem>>, vector<1x16xf32>,
      %swap3A_88 = arith.index_cast %add3A_78 : i32 to index
      %swap3A_89 = arith.constant 32 : index
      %swap3A_90 = tpu.vector_load %arg9[%swap3A_88, %swap3A_89] {strides = array<i32>} : memref<128x64xf32, #tpu.memory_space<vmem>>, vector<1x16xf32>,
      %swap3A_91 = vector.shape_cast %swap3A_90 : vector<1x16xf32> to vector<16xf32>
      %swap3A_92 = vector.shape_cast %broadcast_in_dim3A_0 : vector<16xf32> to vector<1x16xf32>
      tpu.vector_store %arg9[%swap3A_88, %swap3A_89], %swap3A_92 {strides = array<i32>} : memref<128x64xf32, #tpu.memory_space<vmem>>, vector<1x16xf32>,
      %swap3A_93 = arith.index_cast %add3A_78 : i32 to index
      %swap3A_94 = arith.constant 48 : index
      %swap3A_95 = tpu.vector_load %arg9[%swap3A_93, %swap3A_94] {strides = array<i32>} : memref<128x64xf32, #tpu.memory_space<vmem>>, vector<1x16xf32>,
      %swap3A_96 = vector.shape_cast %swap3A_95 : vector<1x16xf32> to vector<16xf32>
      %swap3A_97 = vector.shape_cast %broadcast_in_dim3A_0 : vector<16xf32> to vector<1x16xf32>
      tpu.vector_store %arg9[%swap3A_93, %swap3A_94], %swap3A_97 {strides = array<i32>} : memref<128x64xf32, #tpu.memory_space<vmem>>, vector<1x16xf32>,
    }
    %scan3A_4 = arith.constant 128 : i32
    %mul3A = arith.constant 640 : i32
    %mul3A_5 = arith.muli %arg1, %mul3A : i32
    %add3A = arith.constant 0 : i32
    %add3A_6 = arith.addi %mul3A_5, %add3A : i32
    "tpu.region"() ({
      %run_scoped3A = tpu.sem_alloc : memref<!tpu.dma_semaphore, #tpu.memory_space<semaphore_mem>>
      %dma_start3A_74 = arith.constant 0 : i32
      %dma_start3A_75 = tpu.memref_slice %arg10[%add3A_6, %dma_start3A_74] : memref<10240x64xf32, #tpu.memory_space<vmem_shared>> -> memref<128x64xf32, #tpu.memory_space<vmem_shared>>
      %dma_start3A_76 = arith.constant 0 : i32
      %dma_start3A_77 = tpu.memref_slice %arg10[%add3A_6, %dma_start3A_76] : memref<10240x64xf32, #tpu.memory_space<vmem_shared>> -> memref<128x64xf32, #tpu.memory_space<vmem_shared>>
      tpu.enqueue_dma source(%arg9 : memref<128x64xf32, #tpu.memory_space<vmem>>) target(%dma_start3A_77 : memref<128x64xf32, #tpu.memory_space<vmem_shared>>) target_semaphore(%run_scoped3A : memref<!tpu.dma_semaphore, #tpu.memory_space<semaphore_mem>>)
      %dma_wait3A_78 = arith.constant 0 : i32
      %dma_wait3A_79 = tpu.memref_slice %arg10[%add3A_6, %dma_wait3A_78] : memref<10240x64xf32, #tpu.memory_space<vmem_shared>> -> memref<128x64xf32, #tpu.memory_space<vmem_shared>>
      %dma_wait3A_80 = arith.constant 0 : i32
      %dma_wait3A_81 = tpu.memref_slice %arg10[%add3A_6, %dma_wait3A_80] : memref<10240x64xf32, #tpu.memory_space<vmem_shared>> -> memref<128x64xf32, #tpu.memory_space<vmem_shared>>
      tpu.wait_dma2 semaphore(%run_scoped3A : memref<!tpu.dma_semaphore, #tpu.memory_space<semaphore_mem>>) src(%arg9 : memref<128x64xf32, #tpu.memory_space<vmem>>) dst(%dma_wait3A_81 : memref<128x64xf32, #tpu.memory_space<vmem_shared>>)
      tpu.yield
    }) : () -> ()
    %mul3A_7 = arith.constant 640 : i32
    %mul3A_8 = arith.muli %arg1, %mul3A_7 : i32
    %add3A_9 = arith.constant 128 : i32
    %add3A_10 = arith.addi %mul3A_8, %add3A_9 : i32
    "tpu.region"() ({
      %run_scoped3A = tpu.sem_alloc : memref<!tpu.dma_semaphore, #tpu.memory_space<semaphore_mem>>
      %dma_start3A_74 = arith.constant 0 : i32
      %dma_start3A_75 = tpu.memref_slice %arg10[%add3A_10, %dma_start3A_74] : memref<10240x64xf32, #tpu.memory_space<vmem_shared>> -> memref<128x64xf32, #tpu.memory_space<vmem_shared>>
      %dma_start3A_76 = arith.constant 0 : i32
      %dma_start3A_77 = tpu.memref_slice %arg10[%add3A_10, %dma_start3A_76] : memref<10240x64xf32, #tpu.memory_space<vmem_shared>> -> memref<128x64xf32, #tpu.memory_space<vmem_shared>>
      tpu.enqueue_dma source(%arg9 : memref<128x64xf32, #tpu.memory_space<vmem>>) target(%dma_start3A_77 : memref<128x64xf32, #tpu.memory_space<vmem_shared>>) target_semaphore(%run_scoped3A : memref<!tpu.dma_semaphore, #tpu.memory_space<semaphore_mem>>)
      %dma_wait3A_78 = arith.constant 0 : i32
      %dma_wait3A_79 = tpu.memref_slice %arg10[%add3A_10, %dma_wait3A_78] : memref<10240x64xf32, #tpu.memory_space<vmem_shared>> -> memref<128x64xf32, #tpu.memory_space<vmem_shared>>
      %dma_wait3A_80 = arith.constant 0 : i32
      %dma_wait3A_81 = tpu.memref_slice %arg10[%add3A_10, %dma_wait3A_80] : memref<10240x64xf32, #tpu.memory_space<vmem_shared>> -> memref<128x64xf32, #tpu.memory_space<vmem_shared>>
      tpu.wait_dma2 semaphore(%run_scoped3A : memref<!tpu.dma_semaphore, #tpu.memory_space<semaphore_mem>>) src(%arg9 : memref<128x64xf32, #tpu.memory_space<vmem>>) dst(%dma_wait3A_81 : memref<128x64xf32, #tpu.memory_space<vmem_shared>>)
      tpu.yield
    }) : () -> ()
    %mul3A_11 = arith.constant 640 : i32
    %mul3A_12 = arith.muli %arg1, %mul3A_11 : i32
    %add3A_13 = arith.constant 256 : i32
    %add3A_14 = arith.addi %mul3A_12, %add3A_13 : i32
    "tpu.region"() ({
      %run_scoped3A = tpu.sem_alloc : memref<!tpu.dma_semaphore, #tpu.memory_space<semaphore_mem>>
      %dma_start3A_74 = arith.constant 0 : i32
      %dma_start3A_75 = tpu.memref_slice %arg10[%add3A_14, %dma_start3A_74] : memref<10240x64xf32, #tpu.memory_space<vmem_shared>> -> memref<128x64xf32, #tpu.memory_space<vmem_shared>>
      %dma_start3A_76 = arith.constant 0 : i32
      %dma_start3A_77 = tpu.memref_slice %arg10[%add3A_14, %dma_start3A_76] : memref<10240x64xf32, #tpu.memory_space<vmem_shared>> -> memref<128x64xf32, #tpu.memory_space<vmem_shared>>
      tpu.enqueue_dma source(%arg9 : memref<128x64xf32, #tpu.memory_space<vmem>>) target(%dma_start3A_77 : memref<128x64xf32, #tpu.memory_space<vmem_shared>>) target_semaphore(%run_scoped3A : memref<!tpu.dma_semaphore, #tpu.memory_space<semaphore_mem>>)
      %dma_wait3A_78 = arith.constant 0 : i32
      %dma_wait3A_79 = tpu.memref_slice %arg10[%add3A_14, %dma_wait3A_78] : memref<10240x64xf32, #tpu.memory_space<vmem_shared>> -> memref<128x64xf32, #tpu.memory_space<vmem_shared>>
      %dma_wait3A_80 = arith.constant 0 : i32
      %dma_wait3A_81 = tpu.memref_slice %arg10[%add3A_14, %dma_wait3A_80] : memref<10240x64xf32, #tpu.memory_space<vmem_shared>> -> memref<128x64xf32, #tpu.memory_space<vmem_shared>>
      tpu.wait_dma2 semaphore(%run_scoped3A : memref<!tpu.dma_semaphore, #tpu.memory_space<semaphore_mem>>) src(%arg9 : memref<128x64xf32, #tpu.memory_space<vmem>>) dst(%dma_wait3A_81 : memref<128x64xf32, #tpu.memory_space<vmem_shared>>)
      tpu.yield
    }) : () -> ()
    %mul3A_15 = arith.constant 640 : i32
    %mul3A_16 = arith.muli %arg1, %mul3A_15 : i32
    %add3A_17 = arith.constant 384 : i32
    %add3A_18 = arith.addi %mul3A_16, %add3A_17 : i32
    "tpu.region"() ({
      %run_scoped3A = tpu.sem_alloc : memref<!tpu.dma_semaphore, #tpu.memory_space<semaphore_mem>>
      %dma_start3A_74 = arith.constant 0 : i32
      %dma_start3A_75 = tpu.memref_slice %arg10[%add3A_18, %dma_start3A_74] : memref<10240x64xf32, #tpu.memory_space<vmem_shared>> -> memref<128x64xf32, #tpu.memory_space<vmem_shared>>
      %dma_start3A_76 = arith.constant 0 : i32
      %dma_start3A_77 = tpu.memref_slice %arg10[%add3A_18, %dma_start3A_76] : memref<10240x64xf32, #tpu.memory_space<vmem_shared>> -> memref<128x64xf32, #tpu.memory_space<vmem_shared>>
      tpu.enqueue_dma source(%arg9 : memref<128x64xf32, #tpu.memory_space<vmem>>) target(%dma_start3A_77 : memref<128x64xf32, #tpu.memory_space<vmem_shared>>) target_semaphore(%run_scoped3A : memref<!tpu.dma_semaphore, #tpu.memory_space<semaphore_mem>>)
      %dma_wait3A_78 = arith.constant 0 : i32
      %dma_wait3A_79 = tpu.memref_slice %arg10[%add3A_18, %dma_wait3A_78] : memref<10240x64xf32, #tpu.memory_space<vmem_shared>> -> memref<128x64xf32, #tpu.memory_space<vmem_shared>>
      %dma_wait3A_80 = arith.constant 0 : i32
      %dma_wait3A_81 = tpu.memref_slice %arg10[%add3A_18, %dma_wait3A_80] : memref<10240x64xf32, #tpu.memory_space<vmem_shared>> -> memref<128x64xf32, #tpu.memory_space<vmem_shared>>
      tpu.wait_dma2 semaphore(%run_scoped3A : memref<!tpu.dma_semaphore, #tpu.memory_space<semaphore_mem>>) src(%arg9 : memref<128x64xf32, #tpu.memory_space<vmem>>) dst(%dma_wait3A_81 : memref<128x64xf32, #tpu.memory_space<vmem_shared>>)
      tpu.yield
    }) : () -> ()
    %mul3A_19 = arith.constant 640 : i32
    %mul3A_20 = arith.muli %arg1, %mul3A_19 : i32
    %add3A_21 = arith.constant 512 : i32
    %add3A_22 = arith.addi %mul3A_20, %add3A_21 : i32
    "tpu.region"() ({
      %run_scoped3A = tpu.sem_alloc : memref<!tpu.dma_semaphore, #tpu.memory_space<semaphore_mem>>
      %dma_start3A_74 = arith.constant 0 : i32
      %dma_start3A_75 = tpu.memref_slice %arg10[%add3A_22, %dma_start3A_74] : memref<10240x64xf32, #tpu.memory_space<vmem_shared>> -> memref<128x64xf32, #tpu.memory_space<vmem_shared>>
      %dma_start3A_76 = arith.constant 0 : i32
      %dma_start3A_77 = tpu.memref_slice %arg10[%add3A_22, %dma_start3A_76] : memref<10240x64xf32, #tpu.memory_space<vmem_shared>> -> memref<128x64xf32, #tpu.memory_space<vmem_shared>>
      tpu.enqueue_dma source(%arg9 : memref<128x64xf32, #tpu.memory_space<vmem>>) target(%dma_start3A_77 : memref<128x64xf32, #tpu.memory_space<vmem_shared>>) target_semaphore(%run_scoped3A : memref<!tpu.dma_semaphore, #tpu.memory_space<semaphore_mem>>)
      %dma_wait3A_78 = arith.constant 0 : i32
      %dma_wait3A_79 = tpu.memref_slice %arg10[%add3A_22, %dma_wait3A_78] : memref<10240x64xf32, #tpu.memory_space<vmem_shared>> -> memref<128x64xf32, #tpu.memory_space<vmem_shared>>
      %dma_wait3A_80 = arith.constant 0 : i32
      %dma_wait3A_81 = tpu.memref_slice %arg10[%add3A_22, %dma_wait3A_80] : memref<10240x64xf32, #tpu.memory_space<vmem_shared>> -> memref<128x64xf32, #tpu.memory_space<vmem_shared>>
      tpu.wait_dma2 semaphore(%run_scoped3A : memref<!tpu.dma_semaphore, #tpu.memory_space<semaphore_mem>>) src(%arg9 : memref<128x64xf32, #tpu.memory_space<vmem>>) dst(%dma_wait3A_81 : memref<128x64xf32, #tpu.memory_space<vmem_shared>>)
      tpu.yield
    }) : () -> ()
    "tpu.region"() ({
      %run_scoped3A = tpu.sem_alloc : memref<!tpu.dma_semaphore, #tpu.memory_space<semaphore_mem>>
      %dma_start3A_74 = arith.constant 0 : i32
      %dma_start3A_75 = arith.constant 0 : i32
      %dma_start3A_76 = tpu.memref_slice %arg3[%arg0, %arg1, %dma_start3A_74, %dma_start3A_75] : memref<2x16x250x80xi32, #tpu.memory_space<hbm>> -> memref<1x1x250x80xi32, #tpu.memory_space<hbm>>
      %dma_start3A_77 = tpu.memref_squeeze %dma_start3A_76 : memref<1x1x250x80xi32, #tpu.memory_space<hbm>> -> memref<250x80xi32, #tpu.memory_space<hbm>>
      %dma_start3A_78 = arith.constant 0 : i32
      %dma_start3A_79 = arith.constant 0 : i32
      %dma_start3A_80 = tpu.memref_slice %arg3[%arg0, %arg1, %dma_start3A_78, %dma_start3A_79] : memref<2x16x250x80xi32, #tpu.memory_space<hbm>> -> memref<1x1x250x80xi32, #tpu.memory_space<hbm>>
      %dma_start3A_81 = tpu.memref_squeeze %dma_start3A_80 : memref<1x1x250x80xi32, #tpu.memory_space<hbm>> -> memref<250x80xi32, #tpu.memory_space<hbm>>
      tpu.enqueue_dma source(%dma_start3A_81 : memref<250x80xi32, #tpu.memory_space<hbm>>) target(%arg6 : memref<250x80xi32, #tpu.memory_space<vmem>>) target_semaphore(%run_scoped3A : memref<!tpu.dma_semaphore, #tpu.memory_space<semaphore_mem>>)
      %dma_wait3A_82 = arith.constant 0 : i32
      %dma_wait3A_83 = arith.constant 0 : i32
      %dma_wait3A_84 = tpu.memref_slice %arg3[%arg0, %arg1, %dma_wait3A_82, %dma_wait3A_83] : memref<2x16x250x80xi32, #tpu.memory_space<hbm>> -> memref<1x1x250x80xi32, #tpu.memory_space<hbm>>
      %dma_wait3A_85 = tpu.memref_squeeze %dma_wait3A_84 : memref<1x1x250x80xi32, #tpu.memory_space<hbm>> -> memref<250x80xi32, #tpu.memory_space<hbm>>
      %dma_wait3A_86 = arith.constant 0 : i32
      %dma_wait3A_87 = arith.constant 0 : i32
      %dma_wait3A_88 = tpu.memref_slice %arg3[%arg0, %arg1, %dma_wait3A_86, %dma_wait3A_87] : memref<2x16x250x80xi32, #tpu.memory_space<hbm>> -> memref<1x1x250x80xi32, #tpu.memory_space<hbm>>
      %dma_wait3A_89 = tpu.memref_squeeze %dma_wait3A_88 : memref<1x1x250x80xi32, #tpu.memory_space<hbm>> -> memref<250x80xi32, #tpu.memory_space<hbm>>
      tpu.wait_dma2 semaphore(%run_scoped3A : memref<!tpu.dma_semaphore, #tpu.memory_space<semaphore_mem>>) src(%dma_wait3A_89 : memref<250x80xi32, #tpu.memory_space<hbm>>) dst(%arg6 : memref<250x80xi32, #tpu.memory_space<vmem>>)
      tpu.yield
    }) : () -> ()
    "tpu.region"() ({
      %run_scoped3A = tpu.sem_alloc : memref<!tpu.dma_semaphore, #tpu.memory_space<semaphore_mem>>
      %dma_start3A_74 = arith.constant 0 : i32
      %dma_start3A_75 = arith.constant 0 : i32
      %dma_start3A_76 = tpu.memref_slice %arg4[%arg1, %dma_start3A_74, %dma_start3A_75] : memref<16x250x80xi32, #tpu.memory_space<hbm>> -> memref<1x250x80xi32, #tpu.memory_space<hbm>>
      %dma_start3A_77 = tpu.memref_squeeze %dma_start3A_76 : memref<1x250x80xi32, #tpu.memory_space<hbm>> -> memref<250x80xi32, #tpu.memory_space<hbm>>
      %dma_start3A_78 = arith.constant 0 : i32
      %dma_start3A_79 = arith.constant 0 : i32
      %dma_start3A_80 = tpu.memref_slice %arg4[%arg1, %dma_start3A_78, %dma_start3A_79] : memref<16x250x80xi32, #tpu.memory_space<hbm>> -> memref<1x250x80xi32, #tpu.memory_space<hbm>>
      %dma_start3A_81 = tpu.memref_squeeze %dma_start3A_80 : memref<1x250x80xi32, #tpu.memory_space<hbm>> -> memref<250x80xi32, #tpu.memory_space<hbm>>
      tpu.enqueue_dma source(%dma_start3A_81 : memref<250x80xi32, #tpu.memory_space<hbm>>) target(%arg7 : memref<250x80xi32, #tpu.memory_space<vmem>>) target_semaphore(%run_scoped3A : memref<!tpu.dma_semaphore, #tpu.memory_space<semaphore_mem>>)
      %dma_wait3A_82 = arith.constant 0 : i32
      %dma_wait3A_83 = arith.constant 0 : i32
      %dma_wait3A_84 = tpu.memref_slice %arg4[%arg1, %dma_wait3A_82, %dma_wait3A_83] : memref<16x250x80xi32, #tpu.memory_space<hbm>> -> memref<1x250x80xi32, #tpu.memory_space<hbm>>
      %dma_wait3A_85 = tpu.memref_squeeze %dma_wait3A_84 : memref<1x250x80xi32, #tpu.memory_space<hbm>> -> memref<250x80xi32, #tpu.memory_space<hbm>>
      %dma_wait3A_86 = arith.constant 0 : i32
      %dma_wait3A_87 = arith.constant 0 : i32
      %dma_wait3A_88 = tpu.memref_slice %arg4[%arg1, %dma_wait3A_86, %dma_wait3A_87] : memref<16x250x80xi32, #tpu.memory_space<hbm>> -> memref<1x250x80xi32, #tpu.memory_space<hbm>>
      %dma_wait3A_89 = tpu.memref_squeeze %dma_wait3A_88 : memref<1x250x80xi32, #tpu.memory_space<hbm>> -> memref<250x80xi32, #tpu.memory_space<hbm>>
      tpu.wait_dma2 semaphore(%run_scoped3A : memref<!tpu.dma_semaphore, #tpu.memory_space<semaphore_mem>>) src(%dma_wait3A_89 : memref<250x80xi32, #tpu.memory_space<hbm>>) dst(%arg7 : memref<250x80xi32, #tpu.memory_space<vmem>>)
      tpu.yield
    }) : () -> ()
    %barrier3A = arith.constant 0 : index
    tpu.barrier barrier_id(%barrier3A)
    %dma_start3A = arith.constant 0 : i32
    %dma_start3A_23 = arith.constant 0 : i32
    %dma_start3A_24 = arith.constant 0 : i32
    %dma_start3A_25 = tpu.memref_slice %arg8[%dma_start3A_23, %dma_start3A_24] : memref<320x64xf32, #tpu.memory_space<vmem>> -> memref<80x64xf32, #tpu.memory_space<vmem>>
    %dma_start3A_26 = arith.constant 0 : i32
    %dma_start3A_27 = tpu.memref_slice %arg6[%dma_start3A, %dma_start3A_26] : memref<250x80xi32, #tpu.memory_space<vmem>> -> memref<1x80xi32, #tpu.memory_space<vmem>>
    %dma_start3A_28 = tpu.memref_squeeze %dma_start3A_27 : memref<1x80xi32, #tpu.memory_space<vmem>> -> memref<80xi32, #tpu.memory_space<vmem>>
    %dma_start3A_29 = arith.constant 0 : i32
    %dma_start3A_30 = arith.constant 0 : i32
    %dma_start3A_31 = tpu.memref_slice %arg2[%dma_start3A_29, %dma_start3A_30] : memref<20480x64xf32, #tpu.memory_space<hbm>> -> memref<20480x64xf32, #tpu.memory_space<hbm>>
    tpu.enqueue_indirect_dma source(%dma_start3A_31 : memref<20480x64xf32, #tpu.memory_space<hbm>>) target(%dma_start3A_25 : memref<80x64xf32, #tpu.memory_space<vmem>>) offsets(%dma_start3A_28 : memref<80xi32, #tpu.memory_space<vmem>>) semaphore(%arg11 : memref<!tpu.dma_semaphore, #tpu.memory_space<semaphore_mem>>)
    %dma_start3A_32 = arith.constant 1 : i32
    %dma_start3A_33 = arith.constant 80 : i32
    %dma_start3A_34 = arith.constant 0 : i32
    %dma_start3A_35 = tpu.memref_slice %arg8[%dma_start3A_33, %dma_start3A_34] : memref<320x64xf32, #tpu.memory_space<vmem>> -> memref<80x64xf32, #tpu.memory_space<vmem>>
    %dma_start3A_36 = arith.constant 0 : i32
    %dma_start3A_37 = tpu.memref_slice %arg6[%dma_start3A_32, %dma_start3A_36] : memref<250x80xi32, #tpu.memory_space<vmem>> -> memref<1x80xi32, #tpu.memory_space<vmem>>
    %dma_start3A_38 = tpu.memref_squeeze %dma_start3A_37 : memref<1x80xi32, #tpu.memory_space<vmem>> -> memref<80xi32, #tpu.memory_space<vmem>>
    %dma_start3A_39 = arith.constant 0 : i32
    %dma_start3A_40 = arith.constant 0 : i32
    %dma_start3A_41 = tpu.memref_slice %arg2[%dma_start3A_39, %dma_start3A_40] : memref<20480x64xf32, #tpu.memory_space<hbm>> -> memref<20480x64xf32, #tpu.memory_space<hbm>>
    tpu.enqueue_indirect_dma source(%dma_start3A_41 : memref<20480x64xf32, #tpu.memory_space<hbm>>) target(%dma_start3A_35 : memref<80x64xf32, #tpu.memory_space<vmem>>) offsets(%dma_start3A_38 : memref<80xi32, #tpu.memory_space<vmem>>) semaphore(%arg11 : memref<!tpu.dma_semaphore, #tpu.memory_space<semaphore_mem>>)
    %scan3A_42 = arith.constant 0 : i32
    %scan3A_43 = arith.constant 250 : i32
    %scan3A_44 = arith.addi %scan3A_42, %scan3A_43 : i32
    %scan3A_45 = arith.constant 2 : i32
    scf.for %scan3A_74 = %scan3A_42 to %scan3A_44 step %scan3A_45  : i32 {
      %mul3A_75 = arith.constant 1 : i32
      %mul3A_76 = arith.muli %scan3A_74, %mul3A_75 : i32
      %add3A_77 = arith.constant 0 : i32
      %add3A_78 = arith.addi %add3A_77, %mul3A_76 : i32
      %and3A = arith.constant 3 : i32
      %and3A_79 = arith.andi %add3A_78, %and3A : i32
      %mul3A_80 = arith.constant 80 : i32
      %mul3A_81 = arith.muli %and3A_79, %mul3A_80 : i32
      %add3A_82 = arith.constant 2 : i32
      %add3A_83 = arith.addi %add3A_78, %add3A_82 : i32
      %and3A_84 = arith.constant 3 : i32
      %and3A_85 = arith.andi %add3A_83, %and3A_84 : i32
      %mul3A_86 = arith.constant 80 : i32
      %mul3A_87 = arith.muli %and3A_85, %mul3A_86 : i32
      %ge3A = arith.constant 2 : i32
      %ge3A_88 = arith.cmpi sge, %add3A_78, %ge3A : i32
      %convert_element_type3A = arith.extui %ge3A_88 : i1 to i32
      %cond3A = arith.constant 0 : i32
      %cond3A_89 = arith.cmpi ne, %convert_element_type3A, %cond3A : i32
      scf.if %cond3A_89 {
        %sub3A = arith.constant 2 : i32
        %sub3A_152 = arith.subi %add3A_78, %sub3A : i32
        %dma_wait3A_153 = arith.constant 0 : i32
        %dma_wait3A_154 = tpu.memref_slice %arg8[%mul3A_87, %dma_wait3A_153] : memref<320x64xf32, #tpu.memory_space<vmem>> -> memref<80x64xf32, #tpu.memory_space<vmem>>
        %dma_wait3A_155 = arith.constant 0 : i32
        %dma_wait3A_156 = tpu.memref_slice %arg7[%sub3A_152, %dma_wait3A_155] : memref<250x80xi32, #tpu.memory_space<vmem>> -> memref<1x80xi32, #tpu.memory_space<vmem>>
        %dma_wait3A_157 = tpu.memref_squeeze %dma_wait3A_156 : memref<1x80xi32, #tpu.memory_space<vmem>> -> memref<80xi32, #tpu.memory_space<vmem>>
        %dma_wait3A_158 = arith.constant 0 : i32
        %dma_wait3A_159 = arith.constant 0 : i32
        %dma_wait3A_160 = tpu.memref_slice %arg10[%dma_wait3A_158, %dma_wait3A_159] : memref<10240x64xf32, #tpu.memory_space<vmem_shared>> -> memref<10240x64xf32, #tpu.memory_space<vmem_shared>>
        tpu.wait_indirect_dma semaphore(%arg12 : memref<!tpu.dma_semaphore, #tpu.memory_space<semaphore_mem>>) src(%dma_wait3A_154 : memref<80x64xf32, #tpu.memory_space<vmem>>) dst(%dma_wait3A_160 : memref<10240x64xf32, #tpu.memory_space<vmem_shared>>)
      } else {
      }
      %lt3A = arith.constant 248 : i32
      %lt3A_90 = arith.cmpi slt, %add3A_78, %lt3A : i32
      %convert_element_type3A_91 = arith.extui %lt3A_90 : i1 to i32
      %cond3A_92 = arith.constant 0 : i32
      %cond3A_93 = arith.cmpi ne, %convert_element_type3A_91, %cond3A_92 : i32
      scf.if %cond3A_93 {
        %add3A_152 = arith.constant 2 : i32
        %add3A_153 = arith.addi %add3A_78, %add3A_152 : i32
        %dma_start3A_154 = arith.constant 0 : i32
        %dma_start3A_155 = tpu.memref_slice %arg8[%mul3A_87, %dma_start3A_154] : memref<320x64xf32, #tpu.memory_space<vmem>> -> memref<80x64xf32, #tpu.memory_space<vmem>>
        %dma_start3A_156 = arith.constant 0 : i32
        %dma_start3A_157 = tpu.memref_slice %arg6[%add3A_153, %dma_start3A_156] : memref<250x80xi32, #tpu.memory_space<vmem>> -> memref<1x80xi32, #tpu.memory_space<vmem>>
        %dma_start3A_158 = tpu.memref_squeeze %dma_start3A_157 : memref<1x80xi32, #tpu.memory_space<vmem>> -> memref<80xi32, #tpu.memory_space<vmem>>
        %dma_start3A_159 = arith.constant 0 : i32
        %dma_start3A_160 = arith.constant 0 : i32
        %dma_start3A_161 = tpu.memref_slice %arg2[%dma_start3A_159, %dma_start3A_160] : memref<20480x64xf32, #tpu.memory_space<hbm>> -> memref<20480x64xf32, #tpu.memory_space<hbm>>
        tpu.enqueue_indirect_dma source(%dma_start3A_161 : memref<20480x64xf32, #tpu.memory_space<hbm>>) target(%dma_start3A_155 : memref<80x64xf32, #tpu.memory_space<vmem>>) offsets(%dma_start3A_158 : memref<80xi32, #tpu.memory_space<vmem>>) semaphore(%arg11 : memref<!tpu.dma_semaphore, #tpu.memory_space<semaphore_mem>>)
      } else {
      }
      %dma_wait3A_94 = arith.constant 0 : i32
      %dma_wait3A_95 = tpu.memref_slice %arg8[%mul3A_81, %dma_wait3A_94] : memref<320x64xf32, #tpu.memory_space<vmem>> -> memref<80x64xf32, #tpu.memory_space<vmem>>
      %dma_wait3A_96 = arith.constant 0 : i32
      %dma_wait3A_97 = tpu.memref_slice %arg6[%add3A_78, %dma_wait3A_96] : memref<250x80xi32, #tpu.memory_space<vmem>> -> memref<1x80xi32, #tpu.memory_space<vmem>>
      %dma_wait3A_98 = tpu.memref_squeeze %dma_wait3A_97 : memref<1x80xi32, #tpu.memory_space<vmem>> -> memref<80xi32, #tpu.memory_space<vmem>>
      %dma_wait3A_99 = arith.constant 0 : i32
      %dma_wait3A_100 = arith.constant 0 : i32
      %dma_wait3A_101 = tpu.memref_slice %arg2[%dma_wait3A_99, %dma_wait3A_100] : memref<20480x64xf32, #tpu.memory_space<hbm>> -> memref<20480x64xf32, #tpu.memory_space<hbm>>
      tpu.wait_indirect_dma semaphore(%arg11 : memref<!tpu.dma_semaphore, #tpu.memory_space<semaphore_mem>>) src(%dma_wait3A_101 : memref<20480x64xf32, #tpu.memory_space<hbm>>) dst(%dma_wait3A_95 : memref<80x64xf32, #tpu.memory_space<vmem>>)
      %dma_start3A_102 = arith.constant 0 : i32
      %dma_start3A_103 = tpu.memref_slice %arg8[%mul3A_81, %dma_start3A_102] : memref<320x64xf32, #tpu.memory_space<vmem>> -> memref<80x64xf32, #tpu.memory_space<vmem>>
      %dma_start3A_104 = arith.constant 0 : i32
      %dma_start3A_105 = tpu.memref_slice %arg7[%add3A_78, %dma_start3A_104] : memref<250x80xi32, #tpu.memory_space<vmem>> -> memref<1x80xi32, #tpu.memory_space<vmem>>
      %dma_start3A_106 = tpu.memref_squeeze %dma_start3A_105 : memref<1x80xi32, #tpu.memory_space<vmem>> -> memref<80xi32, #tpu.memory_space<vmem>>
      %dma_start3A_107 = arith.constant 0 : i32
      %dma_start3A_108 = arith.constant 0 : i32
      %dma_start3A_109 = tpu.memref_slice %arg10[%dma_start3A_107, %dma_start3A_108] : memref<10240x64xf32, #tpu.memory_space<vmem_shared>> -> memref<10240x64xf32, #tpu.memory_space<vmem_shared>>
      tpu.enqueue_indirect_dma source(%dma_start3A_103 : memref<80x64xf32, #tpu.memory_space<vmem>>) target(%dma_start3A_109 : memref<10240x64xf32, #tpu.memory_space<vmem_shared>>) offsets(%dma_start3A_106 : memref<80xi32, #tpu.memory_space<vmem>>) semaphore(%arg12 : memref<!tpu.dma_semaphore, #tpu.memory_space<semaphore_mem>>) {add = true}
      %scan3A_110 = arith.constant 1 : i32
      %scan3A_111 = arith.addi %scan3A_74, %scan3A_110 : i32
      %mul3A_112 = arith.constant 1 : i32
      %mul3A_113 = arith.muli %scan3A_111, %mul3A_112 : i32
      %add3A_114 = arith.constant 0 : i32
      %add3A_115 = arith.addi %add3A_114, %mul3A_113 : i32
      %and3A_116 = arith.constant 3 : i32
      %and3A_117 = arith.andi %add3A_115, %and3A_116 : i32
      %mul3A_118 = arith.constant 80 : i32
      %mul3A_119 = arith.muli %and3A_117, %mul3A_118 : i32
      %add3A_120 = arith.constant 2 : i32
      %add3A_121 = arith.addi %add3A_115, %add3A_120 : i32
      %and3A_122 = arith.constant 3 : i32
      %and3A_123 = arith.andi %add3A_121, %and3A_122 : i32
      %mul3A_124 = arith.constant 80 : i32
      %mul3A_125 = arith.muli %and3A_123, %mul3A_124 : i32
      %ge3A_126 = arith.constant 2 : i32
      %ge3A_127 = arith.cmpi sge, %add3A_115, %ge3A_126 : i32
      %convert_element_type3A_128 = arith.extui %ge3A_127 : i1 to i32
      %cond3A_129 = arith.constant 0 : i32
      %cond3A_130 = arith.cmpi ne, %convert_element_type3A_128, %cond3A_129 : i32
      scf.if %cond3A_130 {
        %sub3A = arith.constant 2 : i32
        %sub3A_152 = arith.subi %add3A_115, %sub3A : i32
        %dma_wait3A_153 = arith.constant 0 : i32
        %dma_wait3A_154 = tpu.memref_slice %arg8[%mul3A_125, %dma_wait3A_153] : memref<320x64xf32, #tpu.memory_space<vmem>> -> memref<80x64xf32, #tpu.memory_space<vmem>>
        %dma_wait3A_155 = arith.constant 0 : i32
        %dma_wait3A_156 = tpu.memref_slice %arg7[%sub3A_152, %dma_wait3A_155] : memref<250x80xi32, #tpu.memory_space<vmem>> -> memref<1x80xi32, #tpu.memory_space<vmem>>
        %dma_wait3A_157 = tpu.memref_squeeze %dma_wait3A_156 : memref<1x80xi32, #tpu.memory_space<vmem>> -> memref<80xi32, #tpu.memory_space<vmem>>
        %dma_wait3A_158 = arith.constant 0 : i32
        %dma_wait3A_159 = arith.constant 0 : i32
        %dma_wait3A_160 = tpu.memref_slice %arg10[%dma_wait3A_158, %dma_wait3A_159] : memref<10240x64xf32, #tpu.memory_space<vmem_shared>> -> memref<10240x64xf32, #tpu.memory_space<vmem_shared>>
        tpu.wait_indirect_dma semaphore(%arg12 : memref<!tpu.dma_semaphore, #tpu.memory_space<semaphore_mem>>) src(%dma_wait3A_154 : memref<80x64xf32, #tpu.memory_space<vmem>>) dst(%dma_wait3A_160 : memref<10240x64xf32, #tpu.memory_space<vmem_shared>>)
      } else {
      }
      %lt3A_131 = arith.constant 248 : i32
      %lt3A_132 = arith.cmpi slt, %add3A_115, %lt3A_131 : i32
      %convert_element_type3A_133 = arith.extui %lt3A_132 : i1 to i32
      %cond3A_134 = arith.constant 0 : i32
      %cond3A_135 = arith.cmpi ne, %convert_element_type3A_133, %cond3A_134 : i32
      scf.if %cond3A_135 {
        %add3A_152 = arith.constant 2 : i32
        %add3A_153 = arith.addi %add3A_115, %add3A_152 : i32
        %dma_start3A_154 = arith.constant 0 : i32
        %dma_start3A_155 = tpu.memref_slice %arg8[%mul3A_125, %dma_start3A_154] : memref<320x64xf32, #tpu.memory_space<vmem>> -> memref<80x64xf32, #tpu.memory_space<vmem>>
        %dma_start3A_156 = arith.constant 0 : i32
        %dma_start3A_157 = tpu.memref_slice %arg6[%add3A_153, %dma_start3A_156] : memref<250x80xi32, #tpu.memory_space<vmem>> -> memref<1x80xi32, #tpu.memory_space<vmem>>
        %dma_start3A_158 = tpu.memref_squeeze %dma_start3A_157 : memref<1x80xi32, #tpu.memory_space<vmem>> -> memref<80xi32, #tpu.memory_space<vmem>>
        %dma_start3A_159 = arith.constant 0 : i32
        %dma_start3A_160 = arith.constant 0 : i32
        %dma_start3A_161 = tpu.memref_slice %arg2[%dma_start3A_159, %dma_start3A_160] : memref<20480x64xf32, #tpu.memory_space<hbm>> -> memref<20480x64xf32, #tpu.memory_space<hbm>>
        tpu.enqueue_indirect_dma source(%dma_start3A_161 : memref<20480x64xf32, #tpu.memory_space<hbm>>) target(%dma_start3A_155 : memref<80x64xf32, #tpu.memory_space<vmem>>) offsets(%dma_start3A_158 : memref<80xi32, #tpu.memory_space<vmem>>) semaphore(%arg11 : memref<!tpu.dma_semaphore, #tpu.memory_space<semaphore_mem>>)
      } else {
      }
      %dma_wait3A_136 = arith.constant 0 : i32
      %dma_wait3A_137 = tpu.memref_slice %arg8[%mul3A_119, %dma_wait3A_136] : memref<320x64xf32, #tpu.memory_space<vmem>> -> memref<80x64xf32, #tpu.memory_space<vmem>>
      %dma_wait3A_138 = arith.constant 0 : i32
      %dma_wait3A_139 = tpu.memref_slice %arg6[%add3A_115, %dma_wait3A_138] : memref<250x80xi32, #tpu.memory_space<vmem>> -> memref<1x80xi32, #tpu.memory_space<vmem>>
      %dma_wait3A_140 = tpu.memref_squeeze %dma_wait3A_139 : memref<1x80xi32, #tpu.memory_space<vmem>> -> memref<80xi32, #tpu.memory_space<vmem>>
      %dma_wait3A_141 = arith.constant 0 : i32
      %dma_wait3A_142 = arith.constant 0 : i32
      %dma_wait3A_143 = tpu.memref_slice %arg2[%dma_wait3A_141, %dma_wait3A_142] : memref<20480x64xf32, #tpu.memory_space<hbm>> -> memref<20480x64xf32, #tpu.memory_space<hbm>>
      tpu.wait_indirect_dma semaphore(%arg11 : memref<!tpu.dma_semaphore, #tpu.memory_space<semaphore_mem>>) src(%dma_wait3A_143 : memref<20480x64xf32, #tpu.memory_space<hbm>>) dst(%dma_wait3A_137 : memref<80x64xf32, #tpu.memory_space<vmem>>)
      %dma_start3A_144 = arith.constant 0 : i32
      %dma_start3A_145 = tpu.memref_slice %arg8[%mul3A_119, %dma_start3A_144] : memref<320x64xf32, #tpu.memory_space<vmem>> -> memref<80x64xf32, #tpu.memory_space<vmem>>
      %dma_start3A_146 = arith.constant 0 : i32
      %dma_start3A_147 = tpu.memref_slice %arg7[%add3A_115, %dma_start3A_146] : memref<250x80xi32, #tpu.memory_space<vmem>> -> memref<1x80xi32, #tpu.memory_space<vmem>>
      %dma_start3A_148 = tpu.memref_squeeze %dma_start3A_147 : memref<1x80xi32, #tpu.memory_space<vmem>> -> memref<80xi32, #tpu.memory_space<vmem>>
      %dma_start3A_149 = arith.constant 0 : i32
      %dma_start3A_150 = arith.constant 0 : i32
      %dma_start3A_151 = tpu.memref_slice %arg10[%dma_start3A_149, %dma_start3A_150] : memref<10240x64xf32, #tpu.memory_space<vmem_shared>> -> memref<10240x64xf32, #tpu.memory_space<vmem_shared>>
      tpu.enqueue_indirect_dma source(%dma_start3A_145 : memref<80x64xf32, #tpu.memory_space<vmem>>) target(%dma_start3A_151 : memref<10240x64xf32, #tpu.memory_space<vmem_shared>>) offsets(%dma_start3A_148 : memref<80xi32, #tpu.memory_space<vmem>>) semaphore(%arg12 : memref<!tpu.dma_semaphore, #tpu.memory_space<semaphore_mem>>) {add = true}
    }
    %scan3A_46 = arith.constant 250 : i32
    %dma_wait3A = arith.constant 248 : i32
    %dma_wait3A_47 = arith.constant 0 : i32
    %dma_wait3A_48 = arith.constant 0 : i32
    %dma_wait3A_49 = tpu.memref_slice %arg8[%dma_wait3A_47, %dma_wait3A_48] : memref<320x64xf32, #tpu.memory_space<vmem>> -> memref<80x64xf32, #tpu.memory_space<vmem>>
    %dma_wait3A_50 = arith.constant 0 : i32
    %dma_wait3A_51 = tpu.memref_slice %arg7[%dma_wait3A, %dma_wait3A_50] : memref<250x80xi32, #tpu.memory_space<vmem>> -> memref<1x80xi32, #tpu.memory_space<vmem>>
    %dma_wait3A_52 = tpu.memref_squeeze %dma_wait3A_51 : memref<1x80xi32, #tpu.memory_space<vmem>> -> memref<80xi32, #tpu.memory_space<vmem>>
    %dma_wait3A_53 = arith.constant 0 : i32
    %dma_wait3A_54 = arith.constant 0 : i32
    %dma_wait3A_55 = tpu.memref_slice %arg10[%dma_wait3A_53, %dma_wait3A_54] : memref<10240x64xf32, #tpu.memory_space<vmem_shared>> -> memref<10240x64xf32, #tpu.memory_space<vmem_shared>>
    tpu.wait_indirect_dma semaphore(%arg12 : memref<!tpu.dma_semaphore, #tpu.memory_space<semaphore_mem>>) src(%dma_wait3A_49 : memref<80x64xf32, #tpu.memory_space<vmem>>) dst(%dma_wait3A_55 : memref<10240x64xf32, #tpu.memory_space<vmem_shared>>)
    %dma_wait3A_56 = arith.constant 249 : i32
    %dma_wait3A_57 = arith.constant 80 : i32
    %dma_wait3A_58 = arith.constant 0 : i32
    %dma_wait3A_59 = tpu.memref_slice %arg8[%dma_wait3A_57, %dma_wait3A_58] : memref<320x64xf32, #tpu.memory_space<vmem>> -> memref<80x64xf32, #tpu.memory_space<vmem>>
    %dma_wait3A_60 = arith.constant 0 : i32
    %dma_wait3A_61 = tpu.memref_slice %arg7[%dma_wait3A_56, %dma_wait3A_60] : memref<250x80xi32, #tpu.memory_space<vmem>> -> memref<1x80xi32, #tpu.memory_space<vmem>>
    %dma_wait3A_62 = tpu.memref_squeeze %dma_wait3A_61 : memref<1x80xi32, #tpu.memory_space<vmem>> -> memref<80xi32, #tpu.memory_space<vmem>>
    %dma_wait3A_63 = arith.constant 0 : i32
    %dma_wait3A_64 = arith.constant 0 : i32
    %dma_wait3A_65 = tpu.memref_slice %arg10[%dma_wait3A_63, %dma_wait3A_64] : memref<10240x64xf32, #tpu.memory_space<vmem_shared>> -> memref<10240x64xf32, #tpu.memory_space<vmem_shared>>
    tpu.wait_indirect_dma semaphore(%arg12 : memref<!tpu.dma_semaphore, #tpu.memory_space<semaphore_mem>>) src(%dma_wait3A_59 : memref<80x64xf32, #tpu.memory_space<vmem>>) dst(%dma_wait3A_65 : memref<10240x64xf32, #tpu.memory_space<vmem_shared>>)
    %barrier3A_66 = arith.constant 0 : index
    tpu.barrier barrier_id(%barrier3A_66)
    %mul3A_67 = arith.constant 640 : i32
    %mul3A_68 = arith.muli %arg1, %mul3A_67 : i32
    %mul3A_69 = arith.constant 10240 : i32
    %mul3A_70 = arith.muli %arg0, %mul3A_69 : i32
    %mul3A_71 = arith.constant 640 : i32
    %mul3A_72 = arith.muli %arg1, %mul3A_71 : i32
    %add3A_73 = arith.addi %mul3A_70, %mul3A_72 : i32
    "tpu.region"() ({
      %run_scoped3A = tpu.sem_alloc : memref<!tpu.dma_semaphore, #tpu.memory_space<semaphore_mem>>
      %dma_start3A_74 = arith.constant 0 : i32
      %dma_start3A_75 = tpu.memref_slice %arg5[%add3A_73, %dma_start3A_74] : memref<20480x64xf32, #tpu.memory_space<hbm>> -> memref<640x64xf32, #tpu.memory_space<hbm>>
      %dma_start3A_76 = arith.constant 0 : i32
      %dma_start3A_77 = tpu.memref_slice %arg10[%mul3A_68, %dma_start3A_76] : memref<10240x64xf32, #tpu.memory_space<vmem_shared>> -> memref<640x64xf32, #tpu.memory_space<vmem_shared>>
      tpu.enqueue_dma source(%dma_start3A_77 : memref<640x64xf32, #tpu.memory_space<vmem_shared>>) target(%dma_start3A_75 : memref<640x64xf32, #tpu.memory_space<hbm>>) target_semaphore(%run_scoped3A : memref<!tpu.dma_semaphore, #tpu.memory_space<semaphore_mem>>)
      %dma_wait3A_78 = arith.constant 0 : i32
      %dma_wait3A_79 = tpu.memref_slice %arg5[%add3A_73, %dma_wait3A_78] : memref<20480x64xf32, #tpu.memory_space<hbm>> -> memref<640x64xf32, #tpu.memory_space<hbm>>
      %dma_wait3A_80 = arith.constant 0 : i32
      %dma_wait3A_81 = tpu.memref_slice %arg10[%mul3A_68, %dma_wait3A_80] : memref<10240x64xf32, #tpu.memory_space<vmem_shared>> -> memref<640x64xf32, #tpu.memory_space<vmem_shared>>
      tpu.wait_dma2 semaphore(%run_scoped3A : memref<!tpu.dma_semaphore, #tpu.memory_space<semaphore_mem>>) src(%dma_wait3A_81 : memref<640x64xf32, #tpu.memory_space<vmem_shared>>) dst(%dma_wait3A_79 : memref<640x64xf32, #tpu.memory_space<hbm>>)
      tpu.yield
    }) : () -> ()
    return
  }
}

module attributes {stable_mosaic.version = 14 : i64} {
  func.func @_rsqrt_body(%arg0: memref<2x1x80x128xf32, #tpu.memory_space<vmem>>, %arg1: memref<80x128xf32, #tpu.memory_space<vmem>>) attributes {dimension_semantics = [], scalar_prefetch = 0 : i64, scratch_operands = 0 : i64, tpu.core_type = #tpu.core_type<tc>} {
    %get3A = arith.constant 0 : index
    %get3A_0 = arith.constant 0 : index
    %get3A_1 = arith.constant 0 : index
    %get3A_2 = arith.constant 0 : index
    %get3A_3 = vector.load %arg0[%get3A, %get3A_0, %get3A_1, %get3A_2] : memref<2x1x80x128xf32, #tpu.memory_space<vmem>>, vector<1x1x80x128xf32>
    %get3A_4 = vector.shape_cast %get3A_3 : vector<1x1x80x128xf32> to vector<80x128xf32>
    %get3A_5 = arith.constant 1 : index
    %get3A_6 = arith.constant 0 : index
    %get3A_7 = arith.constant 0 : index
    %get3A_8 = arith.constant 0 : index
    %get3A_9 = vector.load %arg0[%get3A_5, %get3A_6, %get3A_7, %get3A_8] : memref<2x1x80x128xf32, #tpu.memory_space<vmem>>, vector<1x1x80x128xf32>
    %get3A_10 = vector.shape_cast %get3A_9 : vector<1x1x80x128xf32> to vector<80x128xf32>
    %add3A = arith.addf %get3A_4, %get3A_10 : vector<80x128xf32>
    %add3A_11 = arith.constant 1.000000e+00 : f32
    %add3A_12 = vector.broadcast %add3A_11 : f32 to vector<80x128xf32>
    %add3A_13 = arith.addf %add3A, %add3A_12 : vector<80x128xf32>
    %rsqrt3A = math.rsqrt %add3A_13 : vector<80x128xf32>
    %swap3A = arith.constant 0 : index
    %swap3A_14 = arith.constant 0 : index
    %swap3A_15 = vector.load %arg1[%swap3A, %swap3A_14] : memref<80x128xf32, #tpu.memory_space<vmem>>, vector<80x128xf32>
    tpu.vector_store %arg1[%swap3A, %swap3A_14], %rsqrt3A {strides = array<i32>} : memref<80x128xf32, #tpu.memory_space<vmem>>, vector<80x128xf32>,
    return
  }
}

module attributes {stable_mosaic.version = 14 : i64} {
  func.func @_scale_body(%arg0: i32, %arg1: memref<1024x128xf32, #tpu.memory_space<vmem>>, %arg2: memref<1024x1xf32, #tpu.memory_space<vmem>>, %arg3: memref<1024x80xf32, #tpu.memory_space<vmem>>) attributes {dimension_semantics = [#tpu.dimension_semantics<arbitrary>], iteration_bounds = array<i64: 20>, scalar_prefetch = 0 : i64, scratch_operands = 0 : i64, tpu.core_type = #tpu.core_type<tc>, window_params = [{transform_indices = @transform_0, window_bounds = array<i64: 1024, 128>}, {transform_indices = @transform_1, window_bounds = array<i64: 1024, 1>}, {transform_indices = @transform_2, window_bounds = array<i64: 1024, 80>}]} {
    %jit3A = arith.constant 10 : i32
    %div3A = arith.divsi %arg0, %jit3A : i32
    %sign3A = arith.constant 0 : i32
    %sign3A_0 = arith.cmpi sgt, %arg0, %sign3A : i32
    %sign3A_1 = arith.extui %sign3A_0 : i1 to i32
    %sign3A_2 = arith.constant 0 : i32
    %sign3A_3 = arith.cmpi slt, %arg0, %sign3A_2 : i32
    %sign3A_4 = arith.extui %sign3A_3 : i1 to i32
    %sign3A_5 = arith.subi %sign3A_1, %sign3A_4 : i32
    %sign3A_6 = arith.constant 0 : i32
    %sign3A_7 = arith.cmpi sgt, %jit3A, %sign3A_6 : i32
    %sign3A_8 = arith.extui %sign3A_7 : i1 to i32
    %sign3A_9 = arith.constant 0 : i32
    %sign3A_10 = arith.cmpi slt, %jit3A, %sign3A_9 : i32
    %sign3A_11 = arith.extui %sign3A_10 : i1 to i32
    %sign3A_12 = arith.subi %sign3A_8, %sign3A_11 : i32
    %ne3A = arith.cmpi ne, %sign3A_5, %sign3A_12 : i32
    %rem3A = arith.remsi %arg0, %jit3A : i32
    %ne3A_13 = arith.constant 0 : i32
    %ne3A_14 = arith.cmpi ne, %rem3A, %ne3A_13 : i32
    %and3A = arith.andi %ne3A, %ne3A_14 : i1
    %sub3A = arith.constant 1 : i32
    %sub3A_15 = arith.subi %div3A, %sub3A : i32
    %select_n3A = arith.select %and3A, %sub3A_15, %div3A : i32
    %get3A = arith.constant 0 : index
    %get3A_16 = arith.constant 0 : index
    %get3A_17 = vector.load %arg2[%get3A, %get3A_16] : memref<1024x1xf32, #tpu.memory_space<vmem>>, vector<1024x1xf32>
    %get3A_18 = arith.constant 0 : index
    %get3A_19 = arith.constant 0 : index
    %get3A_20 = vector.load %arg1[%get3A_18, %get3A_19] : memref<1024x128xf32, #tpu.memory_space<vmem>>, vector<1024x128xf32>
    %eq3A = arith.constant 0 : i32
    %eq3A_21 = arith.cmpi eq, %select_n3A, %eq3A : i32
    %slice3A = vector.extract_strided_slice %get3A_20 {offsets = [0, 0], sizes = [1024, 64], strides = [1, 1]} : vector<1024x128xf32> to vector<1024x64xf32>
    %slice3A_22 = vector.extract_strided_slice %get3A_20 {offsets = [0, 64], sizes = [1024, 64], strides = [1, 1]} : vector<1024x128xf32> to vector<1024x64xf32>
    %select_n3A_23 = arith.select %eq3A_21, %slice3A, %slice3A_22 : vector<1024x64xf32>
    %iota3A = tpu.iota {dimensions = array<i32: 1>} : vector<1024x16xi32>
    %eq3A_24 = arith.constant 0 : i32
    %eq3A_25 = vector.broadcast %eq3A_24 : i32 to vector<1024x16xi32>
    %eq3A_26 = arith.cmpi eq, %iota3A, %eq3A_25 : vector<1024x16xi32>
    %jit3A_27 = arith.constant 0.000000e+00 : f32
    %broadcast_in_dim3A = vector.shape_cast %get3A_17 : vector<1024x1xf32> to vector<1024x1xf32>
    %broadcast_in_dim3A_28 = vector.broadcast %broadcast_in_dim3A : vector<1024x1xf32> to vector<1024x16xf32>
    %broadcast_in_dim3A_29 = vector.broadcast %jit3A_27 : f32 to vector<1024x16xf32>
    %select_n3A_30 = arith.select %eq3A_26, %broadcast_in_dim3A_28, %broadcast_in_dim3A_29 : vector<1024x16xi1>, vector<1024x16xf32>
    %mul3A = vector.broadcast %get3A_17 : vector<1024x1xf32> to vector<1024x64xf32>
    %mul3A_31 = arith.mulf %select_n3A_23, %mul3A : vector<1024x64xf32>
    %concatenate3A = tpu.concatenate %mul3A_31, %select_n3A_30 in 1 : vector<1024x64xf32>, vector<1024x16xf32> -> vector<1024x80xf32>
    %swap3A = arith.constant 0 : index
    %swap3A_32 = arith.constant 0 : index
    %swap3A_33 = vector.load %arg3[%swap3A, %swap3A_32] : memref<1024x80xf32, #tpu.memory_space<vmem>>, vector<1024x80xf32>
    tpu.vector_store %arg3[%swap3A, %swap3A_32], %concatenate3A {strides = array<i32>} : memref<1024x80xf32, #tpu.memory_space<vmem>>, vector<1024x80xf32>,
    return
  }
  func.func @transform_0(%arg0: i32) -> (i32, i32) {
    %jit3A = arith.constant 10 : i32
    %eq3A = arith.constant 0 : i32
    %eq3A_0 = arith.cmpi eq, %jit3A, %eq3A : i32
    %jit3A_1 = arith.constant 1 : i32
    %select_n3A = arith.select %eq3A_0, %jit3A_1, %jit3A : i32
    %rem3A = arith.remsi %arg0, %select_n3A : i32
    %ne3A = arith.constant 0 : i32
    %ne3A_2 = arith.cmpi ne, %rem3A, %ne3A : i32
    %lt3A = arith.constant 0 : i32
    %lt3A_3 = arith.cmpi slt, %rem3A, %lt3A : i32
    %lt3A_4 = arith.constant 0 : i32
    %lt3A_5 = arith.cmpi slt, %select_n3A, %lt3A_4 : i32
    %ne3A_6 = arith.xori %lt3A_3, %lt3A_5 : i1
    %and3A = arith.andi %ne3A_6, %ne3A_2 : i1
    %add3A = arith.addi %rem3A, %select_n3A : i32
    %select_n3A_7 = arith.select %and3A, %add3A, %rem3A : i32
    %c0_i32 = arith.constant 0 : i32
    %c0_i32_8 = arith.constant 0 : i32
    return %select_n3A_7, %c0_i32 : i32, i32
  }
  func.func @transform_1(%arg0: i32) -> (i32, i32) {
    %jit3A = arith.constant 10 : i32
    %eq3A = arith.constant 0 : i32
    %eq3A_0 = arith.cmpi eq, %jit3A, %eq3A : i32
    %jit3A_1 = arith.constant 1 : i32
    %select_n3A = arith.select %eq3A_0, %jit3A_1, %jit3A : i32
    %rem3A = arith.remsi %arg0, %select_n3A : i32
    %ne3A = arith.constant 0 : i32
    %ne3A_2 = arith.cmpi ne, %rem3A, %ne3A : i32
    %lt3A = arith.constant 0 : i32
    %lt3A_3 = arith.cmpi slt, %rem3A, %lt3A : i32
    %lt3A_4 = arith.constant 0 : i32
    %lt3A_5 = arith.cmpi slt, %select_n3A, %lt3A_4 : i32
    %ne3A_6 = arith.xori %lt3A_3, %lt3A_5 : i1
    %and3A = arith.andi %ne3A_6, %ne3A_2 : i1
    %add3A = arith.addi %rem3A, %select_n3A : i32
    %select_n3A_7 = arith.select %and3A, %add3A, %rem3A : i32
    %c0_i32 = arith.constant 0 : i32
    %c0_i32_8 = arith.constant 0 : i32
    return %select_n3A_7, %c0_i32 : i32, i32
  }
  func.func @transform_2(%arg0: i32) -> (i32, i32) {
    %c0_i32 = arith.constant 0 : i32
    %c0_i32_0 = arith.constant 0 : i32
    return %arg0, %c0_i32 : i32, i32
  }
}

module attributes {stable_mosaic.version = 14 : i64} {
  func.func @_mid_body(%arg0: i32, %arg1: memref<1024x80xf32, #tpu.memory_space<vmem>>, %arg2: memref<1024x80xf32, #tpu.memory_space<vmem>>, %arg3: memref<1024x1xf32, #tpu.memory_space<vmem>>, %arg4: memref<1024x64xf32, #tpu.memory_space<vmem>>) attributes {dimension_semantics = [#tpu.dimension_semantics<arbitrary>], iteration_bounds = array<i64: 20>, scalar_prefetch = 0 : i64, scratch_operands = 0 : i64, tpu.core_type = #tpu.core_type<tc>, window_params = [{transform_indices = @transform_0, window_bounds = array<i64: 1024, 80>}, {transform_indices = @transform_1, window_bounds = array<i64: 1024, 80>}, {transform_indices = @transform_2, window_bounds = array<i64: 1024, 1>}, {transform_indices = @transform_3, window_bounds = array<i64: 1024, 64>}]} {
    %get3A = arith.constant 0 : index
    %get3A_0 = arith.constant 0 : index
    %get3A_1 = vector.load %arg3[%get3A, %get3A_0] : memref<1024x1xf32, #tpu.memory_space<vmem>>, vector<1024x1xf32>
    %mul3A = arith.mulf %get3A_1, %get3A_1 : vector<1024x1xf32>
    %get3A_2 = arith.constant 0 : index
    %get3A_3 = arith.constant 0 : index
    %get3A_4 = vector.load %arg1[%get3A_2, %get3A_3] : memref<1024x80xf32, #tpu.memory_space<vmem>>, vector<1024x64xf32>
    %get3A_5 = arith.constant 0 : index
    %get3A_6 = arith.constant 0 : index
    %get3A_7 = vector.load %arg2[%get3A_5, %get3A_6] : memref<1024x80xf32, #tpu.memory_space<vmem>>, vector<1024x64xf32>
    %add3A = arith.addf %get3A_4, %get3A_7 : vector<1024x64xf32>
    %mul3A_8 = vector.broadcast %mul3A : vector<1024x1xf32> to vector<1024x64xf32>
    %mul3A_9 = arith.mulf %add3A, %mul3A_8 : vector<1024x64xf32>
    %swap3A = arith.constant 0 : index
    %swap3A_10 = arith.constant 0 : index
    %swap3A_11 = vector.load %arg4[%swap3A, %swap3A_10] : memref<1024x64xf32, #tpu.memory_space<vmem>>, vector<1024x64xf32>
    tpu.vector_store %arg4[%swap3A, %swap3A_10], %mul3A_9 {strides = array<i32>} : memref<1024x64xf32, #tpu.memory_space<vmem>>, vector<1024x64xf32>,
    return
  }
  func.func @transform_0(%arg0: i32) -> (i32, i32) {
    %c0_i32 = arith.constant 0 : i32
    %c0_i32_0 = arith.constant 0 : i32
    return %arg0, %c0_i32 : i32, i32
  }
  func.func @transform_1(%arg0: i32) -> (i32, i32) {
    %c0_i32 = arith.constant 0 : i32
    %c0_i32_0 = arith.constant 0 : i32
    return %arg0, %c0_i32 : i32, i32
  }
  func.func @transform_2(%arg0: i32) -> (i32, i32) {
    %jit3A = arith.constant 10 : i32
    %eq3A = arith.constant 0 : i32
    %eq3A_0 = arith.cmpi eq, %jit3A, %eq3A : i32
    %jit3A_1 = arith.constant 1 : i32
    %select_n3A = arith.select %eq3A_0, %jit3A_1, %jit3A : i32
    %rem3A = arith.remsi %arg0, %select_n3A : i32
    %ne3A = arith.constant 0 : i32
    %ne3A_2 = arith.cmpi ne, %rem3A, %ne3A : i32
    %lt3A = arith.constant 0 : i32
    %lt3A_3 = arith.cmpi slt, %rem3A, %lt3A : i32
    %lt3A_4 = arith.constant 0 : i32
    %lt3A_5 = arith.cmpi slt, %select_n3A, %lt3A_4 : i32
    %ne3A_6 = arith.xori %lt3A_3, %lt3A_5 : i1
    %and3A = arith.andi %ne3A_6, %ne3A_2 : i1
    %add3A = arith.addi %rem3A, %select_n3A : i32
    %select_n3A_7 = arith.select %and3A, %add3A, %rem3A : i32
    %c0_i32 = arith.constant 0 : i32
    %c0_i32_8 = arith.constant 0 : i32
    return %select_n3A_7, %c0_i32 : i32, i32
  }
  func.func @transform_3(%arg0: i32) -> (i32, i32) {
    %c0_i32 = arith.constant 0 : i32
    %c0_i32_0 = arith.constant 0 : i32
    return %arg0, %c0_i32 : i32, i32
  }
}

module attributes {stable_mosaic.version = 14 : i64} {
  func.func @_fin_body(%arg0: i32, %arg1: memref<1024x64xf32, #tpu.memory_space<vmem>>, %arg2: memref<1024x64xf32, #tpu.memory_space<vmem>>, %arg3: memref<1024x64xf32, #tpu.memory_space<vmem>>, %arg4: memref<1024x64xf32, #tpu.memory_space<vmem>>, %arg5: memref<1024x80xf32, #tpu.memory_space<vmem>>, %arg6: memref<1024x1xf32, #tpu.memory_space<vmem>>, %arg7: memref<128x256xf32, #tpu.memory_space<vmem>>, %arg8: memref<256x128xf32, #tpu.memory_space<vmem>>, %arg9: memref<1x256xf32, #tpu.memory_space<vmem>>, %arg10: memref<1x128xf32, #tpu.memory_space<vmem>>, %arg11: memref<1024x128xf32, #tpu.memory_space<vmem>>) attributes {dimension_semantics = [#tpu.dimension_semantics<arbitrary>], iteration_bounds = array<i64: 10>, scalar_prefetch = 0 : i64, scratch_operands = 0 : i64, tpu.core_type = #tpu.core_type<tc>, window_params = [{transform_indices = @transform_0, window_bounds = array<i64: 1024, 64>}, {transform_indices = @transform_1, window_bounds = array<i64: 1024, 64>}, {transform_indices = @transform_2, window_bounds = array<i64: 1024, 64>}, {transform_indices = @transform_3, window_bounds = array<i64: 1024, 64>}, {transform_indices = @transform_4, window_bounds = array<i64: 1024, 80>}, {transform_indices = @transform_5, window_bounds = array<i64: 1024, 1>}, {pipeline_mode = #tpu.pipeline_mode<synchronous>, transform_indices = @transform_6, window_bounds = array<i64: 128, 256>}, {pipeline_mode = #tpu.pipeline_mode<synchronous>, transform_indices = @transform_7, window_bounds = array<i64: 256, 128>}, {pipeline_mode = #tpu.pipeline_mode<synchronous>, transform_indices = @transform_8, window_bounds = array<i64: 1, 256>}, {pipeline_mode = #tpu.pipeline_mode<synchronous>, transform_indices = @transform_9, window_bounds = array<i64: 1, 128>}, {transform_indices = @transform_10, window_bounds = array<i64: 1024, 128>}]} {
    %get3A = arith.constant 0 : index
    %get3A_0 = arith.constant 0 : index
    %get3A_1 = vector.load %arg6[%get3A, %get3A_0] : memref<1024x1xf32, #tpu.memory_space<vmem>>, vector<1024x1xf32>
    %get3A_2 = arith.constant 0 : index
    %get3A_3 = arith.constant 0 : index
    %get3A_4 = vector.load %arg1[%get3A_2, %get3A_3] : memref<1024x64xf32, #tpu.memory_space<vmem>>, vector<1024x64xf32>
    %get3A_5 = arith.constant 0 : index
    %get3A_6 = arith.constant 0 : index
    %get3A_7 = vector.load %arg3[%get3A_5, %get3A_6] : memref<1024x64xf32, #tpu.memory_space<vmem>>, vector<1024x64xf32>
    %add3A = arith.addf %get3A_4, %get3A_7 : vector<1024x64xf32>
    %mul3A = vector.broadcast %get3A_1 : vector<1024x1xf32> to vector<1024x64xf32>
    %mul3A_8 = arith.mulf %add3A, %mul3A : vector<1024x64xf32>
    %get3A_9 = arith.constant 0 : index
    %get3A_10 = arith.constant 0 : index
    %get3A_11 = vector.load %arg2[%get3A_9, %get3A_10] : memref<1024x64xf32, #tpu.memory_space<vmem>>, vector<1024x64xf32>
    %get3A_12 = arith.constant 0 : index
    %get3A_13 = arith.constant 0 : index
    %get3A_14 = vector.load %arg4[%get3A_12, %get3A_13] : memref<1024x64xf32, #tpu.memory_space<vmem>>, vector<1024x64xf32>
    %add3A_15 = arith.addf %get3A_11, %get3A_14 : vector<1024x64xf32>
    %mul3A_16 = vector.broadcast %get3A_1 : vector<1024x1xf32> to vector<1024x64xf32>
    %mul3A_17 = arith.mulf %add3A_15, %mul3A_16 : vector<1024x64xf32>
    %concatenate3A = tpu.concatenate %mul3A_8, %mul3A_17 in 1 : vector<1024x64xf32>, vector<1024x64xf32> -> vector<1024x128xf32>
    %get3A_18 = arith.constant 0 : index
    %get3A_19 = arith.constant 0 : index
    %get3A_20 = vector.load %arg7[%get3A_18, %get3A_19] : memref<128x256xf32, #tpu.memory_space<vmem>>, vector<128x256xf32>
    %get3A_21 = arith.constant 0 : index
    %get3A_22 = arith.constant 0 : index
    %get3A_23 = vector.load %arg8[%get3A_21, %get3A_22] : memref<256x128xf32, #tpu.memory_space<vmem>>, vector<256x128xf32>
    %dot_general3A = arith.constant dense<0.000000e+00> : vector<128x128xf32>
    %dot_general3A_24 = tpu.matmul %get3A_20, %get3A_23, %dot_general3A {dimension_numbers = #tpu.dot_dimension_numbers<[1], [0], [0], [1], [0, 0, 1, 1], [], []>, transpose_lhs_hint = false} : vector<128x256xf32>, vector<256x128xf32>, vector<128x128xf32> -> vector<128x128xf32>
    %get3A_25 = arith.constant 0 : index
    %get3A_26 = arith.constant 0 : index
    %get3A_27 = vector.load %arg9[%get3A_25, %get3A_26] : memref<1x256xf32, #tpu.memory_space<vmem>>, vector<1x256xf32>
    %get3A_28 = arith.constant 0 : index
    %get3A_29 = arith.constant 0 : index
    %get3A_30 = vector.load %arg8[%get3A_28, %get3A_29] : memref<256x128xf32, #tpu.memory_space<vmem>>, vector<256x128xf32>
    %dot_general3A_31 = arith.constant dense<0.000000e+00> : vector<1x128xf32>
    %dot_general3A_32 = tpu.matmul %get3A_27, %get3A_30, %dot_general3A_31 {dimension_numbers = #tpu.dot_dimension_numbers<[1], [0], [0], [1], [0, 0, 1, 1], [], []>, transpose_lhs_hint = false} : vector<1x256xf32>, vector<256x128xf32>, vector<1x128xf32> -> vector<1x128xf32>
    %get3A_33 = arith.constant 0 : index
    %get3A_34 = arith.constant 64 : index
    %get3A_35 = vector.load %arg5[%get3A_33, %get3A_34] : memref<1024x80xf32, #tpu.memory_space<vmem>>, vector<1024x1xf32>
    %add3A_36 = arith.addf %get3A_35, %get3A_1 : vector<1024x1xf32>
    %mul3A_37 = arith.mulf %add3A_36, %get3A_1 : vector<1024x1xf32>
    %dot_general3A_38 = arith.constant dense<0.000000e+00> : vector<1024x128xf32>
    %dot_general3A_39 = tpu.matmul %concatenate3A, %dot_general3A_24, %dot_general3A_38 {dimension_numbers = #tpu.dot_dimension_numbers<[1], [0], [0], [1], [0, 0, 1, 1], [], []>, transpose_lhs_hint = false} : vector<1024x128xf32>, vector<128x128xf32>, vector<1024x128xf32> -> vector<1024x128xf32>
    %mul3A_40 = vector.broadcast %mul3A_37 : vector<1024x1xf32> to vector<1024x128xf32>
    %mul3A_41 = vector.broadcast %dot_general3A_32 : vector<1x128xf32> to vector<1024x128xf32>
    %mul3A_42 = arith.mulf %mul3A_40, %mul3A_41 : vector<1024x128xf32>
    %add3A_43 = arith.addf %dot_general3A_39, %mul3A_42 : vector<1024x128xf32>
    %get3A_44 = arith.constant 0 : index
    %get3A_45 = arith.constant 0 : index
    %get3A_46 = vector.load %arg10[%get3A_44, %get3A_45] : memref<1x128xf32, #tpu.memory_space<vmem>>, vector<1x128xf32>
    %add3A_47 = vector.broadcast %get3A_46 : vector<1x128xf32> to vector<1024x128xf32>
    %add3A_48 = arith.addf %add3A_43, %add3A_47 : vector<1024x128xf32>
    %logistic3A = arith.negf %add3A_48 : vector<1024x128xf32>
    %logistic3A_49 = math.exp %logistic3A : vector<1024x128xf32>
    %logistic3A_50 = arith.constant 1.000000e+00 : f32
    %logistic3A_51 = vector.broadcast %logistic3A_50 : f32 to vector<1024x128xf32>
    %logistic3A_52 = arith.addf %logistic3A_51, %logistic3A_49 : vector<1024x128xf32>
    %logistic3A_53 = arith.divf %logistic3A_51, %logistic3A_52 : vector<1024x128xf32>
    %swap3A = arith.constant 0 : index
    %swap3A_54 = arith.constant 0 : index
    %swap3A_55 = vector.load %arg11[%swap3A, %swap3A_54] : memref<1024x128xf32, #tpu.memory_space<vmem>>, vector<1024x128xf32>
    tpu.vector_store %arg11[%swap3A, %swap3A_54], %logistic3A_53 {strides = array<i32>} : memref<1024x128xf32, #tpu.memory_space<vmem>>, vector<1024x128xf32>,
    return
  }
  func.func @transform_0(%arg0: i32) -> (i32, i32) {
    %c0_i32 = arith.constant 0 : i32
    %c0_i32_0 = arith.constant 0 : i32
    return %arg0, %c0_i32 : i32, i32
  }
  func.func @transform_1(%arg0: i32) -> (i32, i32) {
    %add3A = arith.constant 10 : i32
    %add3A_0 = arith.addi %add3A, %arg0 : i32
    %c0_i32 = arith.constant 0 : i32
    %c0_i32_1 = arith.constant 0 : i32
    return %add3A_0, %c0_i32 : i32, i32
  }
  func.func @transform_2(%arg0: i32) -> (i32, i32) {
    %c0_i32 = arith.constant 0 : i32
    %c0_i32_0 = arith.constant 0 : i32
    return %arg0, %c0_i32 : i32, i32
  }
  func.func @transform_3(%arg0: i32) -> (i32, i32) {
    %add3A = arith.constant 10 : i32
    %add3A_0 = arith.addi %add3A, %arg0 : i32
    %c0_i32 = arith.constant 0 : i32
    %c0_i32_1 = arith.constant 0 : i32
    return %add3A_0, %c0_i32 : i32, i32
  }
  func.func @transform_4(%arg0: i32) -> (i32, i32) {
    %c0_i32 = arith.constant 0 : i32
    %c0_i32_0 = arith.constant 0 : i32
    return %arg0, %c0_i32 : i32, i32
  }
  func.func @transform_5(%arg0: i32) -> (i32, i32) {
    %c0_i32 = arith.constant 0 : i32
    %c0_i32_0 = arith.constant 0 : i32
    return %arg0, %c0_i32 : i32, i32
  }
  func.func @transform_6(%arg0: i32) -> (i32, i32) {
    %c0_i32 = arith.constant 0 : i32
    %c0_i32_0 = arith.constant 0 : i32
    %c0_i32_1 = arith.constant 0 : i32
    return %c0_i32, %c0_i32_0 : i32, i32
  }
  func.func @transform_7(%arg0: i32) -> (i32, i32) {
    %c0_i32 = arith.constant 0 : i32
    %c0_i32_0 = arith.constant 0 : i32
    %c0_i32_1 = arith.constant 0 : i32
    return %c0_i32, %c0_i32_0 : i32, i32
  }
  func.func @transform_8(%arg0: i32) -> (i32, i32) {
    %c0_i32 = arith.constant 0 : i32
    %c0_i32_0 = arith.constant 0 : i32
    %c0_i32_1 = arith.constant 0 : i32
    return %c0_i32, %c0_i32_0 : i32, i32
  }
  func.func @transform_9(%arg0: i32) -> (i32, i32) {
    %c0_i32 = arith.constant 0 : i32
    %c0_i32_0 = arith.constant 0 : i32
    %c0_i32_1 = arith.constant 0 : i32
    return %c0_i32, %c0_i32_0 : i32, i32
  }
  func.func @transform_10(%arg0: i32) -> (i32, i32) {
    %c0_i32 = arith.constant 0 : i32
    %c0_i32_0 = arith.constant 0 : i32
    return %arg0, %c0_i32 : i32, i32
  }
}

</mosaic_0001>

<sc_bundles>
// kernel: kernel.12.cloned.1.call-start
scs
__scs_entry_jumppad:
0x0: {  	(pc) =	sbr.rel $0x88, $3  }
0x1: {  	(tag) =	ssettag $0x0;
	lr =	simm.s32 $0x1  }
0x2: {  	[smem:$0x3F9B] =	sst lr;
	_ =	strace $0xD0000000  }
0x3: {  	_ = 	snop  }
0x4: {  	_ = 	snop  }
0x5: {  	_ = 	snop  }
0x6: {  	_ = 	snop  }
0x7: {  	_ = 	snop  }
__scs_overlays_trampoline_lowered:
0x8: {  	[smem:$0x3FAA] =	sst s0  }
0x9: {  	[smem:$0x3FAB] =	sst s1  }
0xa: {  	[smem:$0x3FAC] =	sst s2  }
0xb: {  	[smem:$0x3FAD] =	sst s3  }
0xc: {  	[smem:$0x3FAE] =	sst s4  }
0xd: {  	[smem:$0x3FAF] =	sst s5  }
0xe: {  	[smem:$0x3FB0] =	sst s6  }
0xf: {  	[smem:$0x3FB1] =	sst s7  }
0x10: {  	[smem:$0x3FB2] =	sst s8  }
0x11: {  	[smem:$0x3FB3] =	sst s9;
	s0 =	simm.s32 @!p0 $0x0  }
0x12: {  	s1 =	sld [smem:$0x3F99];
	s0 =	simm.s32 @p0 $0x1  }
0x13: {  	[smem:$0x3FB4] =	sst s0;
	s0 =	simm.s32 @!p1 $0x0  }
0x14: {  	s2 =	sld [smem:$0x3F98];
	s0 =	simm.s32 @p1 $0x1  }
0x15: {  	[smem:$0x3FB5] =	sst s0;
	s0 =	simm.s32 @!p2 $0x0  }
0x16: {  	s3 =	sld [smem:$0x3FDB];
	s0 =	simm.s32 @p2 $0x1  }
0x17: {  	s4 =	simm.s32 $0x1BF5;
	[smem:$0x3FB7] =	sst s0  }
0x18: {  	s0 =	sld [smem:$0x3F9A];
	_ =	swait.ge [sflag:s4], $0x0  }
0x19: {  	s7 =	sld [smem:$0x3F9B]  }
0x1a: {  	s8 =	sadd.s32 $0xFFFFE003, lr  }
0x1b: {  	s9 =	sadd.s32 $0xFFFFFEF7, lr;
	s5 =	simm.s32 $0xFFFFFFFF;
	p2 =	slt.u32 s8, $0xFFFFF086  }
0x1c: {  	p1 =	slt.u32 s9, $0xF7A;
	s5 =	simm.s32 @!p2 $0x0  }
0x1d: {  	s5 =	simm.s32 @p1 $0x1;
	p0 =	seq.s32 s7, s2  }
0x1e: {  	s7 =	smul.u32 @!p0 $0xF7A, s2;
	p2 =	seq.s32 @!p0 s5, $0x0  }
0x1f: {  	s9 =	smul.u32 $0xF7A, s1;
	s8 =	simm.s32 @!p0 $0x1BF5;
	p2 =	por !p2, p0  }
0x20: {  	[sflag:s8] =	ssyncset.s32 @!p0 $0xFFFFF086;
	s6 =	sadd.s32 @!p0 s3, s7;
	s7 =	simm.s32 @!p0 $0x108  }
0x21: {  	s3 =	sadd.s32 s3, s9;
	s6 =	sadd.s32 @!p0 $0x88, s6;
	s7 =	simm.s32 @p2 $0x1082  }
0x22: {  	[simem:s7], [sflag:s8] =	dma.local @!p0 [hbm:s6], $0xF7A  }
0x23: {  	s9 =	sor.u32 $0xD0000000, s2;
	s6 =	simm.s32 $0x108;
	_ =	swait.ge @!p0 [sflag:s8], $0x0  }
0x24: {  	s3 =	sadd.s32 $0x88, s3;
	s6 =	simm.s32 @!p1 $0x1082;
	[sflag:s4] =	ssyncset.s32 $0xFFFFF086  }
0x25: {  	[simem:s6], [sflag:s4] =	dma.local [hbm:s3], $0xF7A  }
0x26: {  	[smem:$0x3F9B] =	sst s1;
	(tag) =	ssettag s2;
	_ =	strace s9  }
0x27: {  	s1 =	sld [smem:$0x3FAB]  }
0x28: {  	s2 =	sld [smem:$0x3FAC]  }
0x29: {  	s4 =	sld [smem:$0x3FAE]  }
0x2a: {  	p0 =	seq.s32 s5, $0x0;
	s5 =	sld [smem:$0x3FAF]  }
0x2b: {  	s6 =	sld [smem:$0x3FB0]  }
0x2c: {  	s7 =	sld [smem:$0x3FB1]  }
0x2d: {  	s3 =	simm.s32 $0x108;
	s8 =	sld [smem:$0x3FB2]  }
0x2e: {  	s3 =	simm.s32 @!p0 $0x1082;
	s9 =	sld [smem:$0x3FB3]  }
0x2f: {  	lr =	sadd.s32 s0, s3;
	s0 =	sld [smem:$0x3FAA]  }
0x30: {  	s3 =	sld [smem:$0x3FAD]  }
0x31: {  	[smem:$0x3FB6] =	sst s10  }
0x32: {  	s10 =	sld [smem:$0x3FB4];
	_ =	sdelay $0x3  }
0x33: {  	p0 =	seq.s32 s10, $0x1;
	s10 =	sld [smem:$0x3FB6];
	_ =	sdelay $0x3  }
0x34: {  	[smem:$0x3FB6] =	sst s10  }
0x35: {  	s10 =	sld [smem:$0x3FB5];
	_ =	sdelay $0x3  }
0x36: {  	p1 =	seq.s32 s10, $0x1;
	s10 =	sld [smem:$0x3FB6];
	_ =	sdelay $0x3  }
0x37: {  	[smem:$0x3FB6] =	sst s10  }
0x38: {  	s10 =	sld [smem:$0x3FB7]  }
0x39: {  	_ = 	snop;
	(pc) =	sbr.ind lr, $3  }
0x3a: {  	_ = 	snop  }
0x3b: {  	_ = 	snop  }
0x3c: {  	p2 =	seq.s32 s10, $0x1;
	s10 =	sld [smem:$0x3FB6]  }
0x3d: {  	_ =	shalt  }
0x3e: {  	_ =	shalt  }
0x3f: {  	_ =	shalt  }
0x40: {  	_ =	shalt  }
0x41: {  	_ =	shalt  }
0x42: {  	_ =	shalt  }
0x43: {  	_ =	shalt  }
0x44: {  	_ =	shalt  }
0x45: {  	_ =	shalt  }
0x46: {  	_ =	shalt  }
0x47: {  	_ =	shalt  }
0x48: {  	_ =	shalt  }
0x49: {  	_ =	shalt  }
0x4a: {  	_ =	shalt  }
0x4b: {  	_ =	shalt  }
0x4c: {  	_ =	shalt  }
0x4d: {  	_ =	shalt  }
0x4e: {  	_ =	shalt  }
0x4f: {  	_ =	shalt  }
0x50: {  	_ =	shalt  }
0x51: {  	_ =	shalt  }
0x52: {  	_ =	shalt  }
0x53: {  	_ =	shalt  }
0x54: {  	_ =	shalt  }
0x55: {  	_ =	shalt  }
0x56: {  	_ =	shalt  }
0x57: {  	_ =	shalt  }
0x58: {  	_ =	shalt  }
0x59: {  	_ =	shalt  }
0x5a: {  	_ =	shalt  }
0x5b: {  	_ =	shalt  }
0x5c: {  	_ =	shalt  }
0x5d: {  	_ =	shalt  }
0x5e: {  	_ =	shalt  }
0x5f: {  	_ =	shalt  }
0x60: {  	_ =	shalt  }
0x61: {  	_ =	shalt  }
0x62: {  	_ =	shalt  }
0x63: {  	_ =	shalt  }
0x64: {  	_ =	shalt  }
0x65: {  	_ =	shalt  }
0x66: {  	_ =	shalt  }
0x67: {  	_ =	shalt  }
0x68: {  	_ =	shalt  }
0x69: {  	_ =	shalt  }
0x6a: {  	_ =	shalt  }
0x6b: {  	_ =	shalt  }
0x6c: {  	_ =	shalt  }
0x6d: {  	_ =	shalt  }
0x6e: {  	_ =	shalt  }
0x6f: {  	_ =	shalt  }
0x70: {  	_ =	shalt  }
0x71: {  	_ =	shalt  }
0x72: {  	_ =	shalt  }
0x73: {  	_ =	shalt  }
0x74: {  	_ =	shalt  }
0x75: {  	_ =	shalt  }
0x76: {  	_ =	shalt  }
0x77: {  	_ =	shalt  }
0x78: {  	_ =	shalt  }
0x79: {  	_ =	shalt  }
0x7a: {  	_ =	shalt  }
0x7b: {  	_ =	shalt  }
0x7c: {  	_ =	shalt  }
0x7d: {  	_ =	shalt  }
0x7e: {  	_ =	shalt  }
0x7f: {  	_ =	shalt  }
0x80: {  	_ =	shalt  }
0x81: {  	_ =	shalt  }
0x82: {  	_ =	shalt  }
0x83: {  	_ =	shalt  }
0x84: {  	_ =	shalt  }
0x85: {  	_ =	shalt  }
0x86: {  	_ =	shalt  }
0x87: {  	_ =	shalt  }
.Lfunc_end0:
.L_simem_size_0:
called_computation.1_lowered:
.L_overlay_start_0:
0x88: {  	s2 =	sld [smem:$0x3FD9]  }
0x89: {  	s3 =	sld [smem:$0x3FFE];
	_ =	sdelay $0x1  }
0x8a: {  	s1 =	srdreg.scid  }
0x8b: {  	s0 =	sand.u32 $0x1, s1  }
0x8c: {  	s17 =	sshll.u32 s0, $0xA;
	s2 =	sadd.s32 s3, s2  }
0x8d: {  	s2 =	sadd.s32 s2, s17  }
0x8e: {  	[smem:$0x3FC2] =	sst s2  }
0x8f: {  	_ = 	snop  }
0x90: {  	s2 =	sld [smem:$0x3FD0];
	(tm) =	ssettm $0x1  }
0x91: {  	s18 =	sld [smem:$0x3FFB];
	_ =	sdelay $0x3  }
0x92: {  	_ =	strace s18  }
0x93: {  	s3 =	sld [smem:$0x3FFC];
	_ =	sdelay $0x3  }
0x94: {  	_ =	strace s3  }
0x95: {  	s3 =	sld [smem:$0x3FFD];
	_ =	sdelay $0x3  }
0x96: {  	_ =	strace s3  }
0x97: {  	_ =	strace $0x8FFFFFFF  }
0x98: {  	s19 =	sld [smem:$0x3FDB];
	_ =	sdelay $0x1  }
0x99: {  	s4 =	simm.s32 $_scs_section_size  }
0x9a: {  	s5 =	simm.s32 $_size__tile_overlayer_lowered;
	s6 =	simm.s32 $_tile_overlayer_lowered  }
0x9b: {  	s22 =	simm.s32 $0x1BFF;
	s21 =	sshll.u32 s6, $0x1;
	s3 =	sadd.s32 s4, s19  }
0x9c: {  	s7 =	simm.s32 $0x0;
	s20 =	sshll.u32 s5, $0x1;
	s5 =	sadd.s32 s21, s3  }
0x9d: {  	[timem:s7], [sflag:s22] =	dma.local [hbm:s5], s20  }
0x9e: {  	_ =	swait.ge [sflag:s22], s20  }
0x9f: {  	s4 =	ssub.s32 $0x0, s20;
	[sflag:s22] =	ssyncset.done $0x0  }
0xa0: {  	[sflag:s22] =	ssyncadd.s32 s4;
	_ =	sdelay $0x1  }
0xa1: {  	s23 =	simm.s32 $0x1B8B  }
0xa2: {  	_ =	swait.ge [sflag:s23], $0x1  }
0xa3: {  	[sflag:s23] =	ssyncset.done $0x0  }
0xa4: {  	s25 =	simm.s32 $0x1B8E;
	s24 =	sld [smem:$0x3FFE];
	[sflag:s23] =	ssyncadd.s32 $0xFFFFFFFF  }
0xa5: {  	s26 =	simm.s32 $execute0_lowered;
	[smem:$0x3FD2] =	sst s25  }
0xa6: {  	s5 =	sshll.u32 s26, $0x1;
	_ =	strace $0x80000049;
	[dreg:$0x1] =	wrdreg $0xFFFFFFFF  }
0xa7: {  	s28 =	simm.s32 $_size_execute0_lowered;
	s3 =	sadd.s32 s3, s5;
	[dreg:$0x0] =	wrdreg $0x0  }
0xa8: {  	s5 =	sshll.u32 s28, $0x1;
	[dreg:$0x2] =	wrdreg s3  }
0xa9: {  	[dreg:$0x3] =	wrdreg s5  }
0xaa: {  	[dreg:$0x4] =	wrdreg $0xC0  }
0xab: {  	_ =	task [dreg:s7], $0x5FFFF  }
0xac: {  	[dreg:$0x1] =	wrdreg $0xFFFFFFFF  }
0xad: {  	[dreg:$0x0] =	wrdreg $0x60  }
0xae: {  	[dreg:$0x2] =	wrdreg s24  }
0xaf: {  	[dreg:$0x3] =	wrdreg s2  }
0xb0: {  	[dreg:$0x4] =	wrdreg $0x128400  }
0xb1: {  	[dreg:$0x5] =	wrdreg $0x9  }
0xb2: {  	_ =	task.clear_ibuf [dreg:s7], $0x6FFFF;
	_ =	strace $0x90000049  }
0xb3: {  	s29 =	simm.s32 $0x9;
	_ =	strace $0x8000004B  }
0xb4: {  	_ =	swait.ge [sflag:s29], $0x1  }
0xb5: {  	[sflag:s29] =	ssyncadd.s32 $0xFFFFFFFF  }
0xb6: {  	_ =	strace $0x9000004B  }
0xb7: {  	_ =	sfence  }
0xb8: {  	s30 =	sld [smem:$0x0];
	_ =	sdelay $0x2  }
0xb9: {  	s31 =	sshll.u32 s1, $0xD;
	s1 =	sshrl.u32 s1, $0x2  }
0xba: {  	s3 =	sand.u32 $0x4000, s31;
	s1 =	sadd.s32 s1, s30  }
0xbb: {  	s0 =	sor.u32 s3, s0;
	s1 =	sshll.u32 s1, $0x11  }
0xbc: {  	s0 =	sor.u32 s1, s0  }
0xbd: {  	s0 =	sadd.s32 $0x8F2B, s0  }
0xbe: {  	[sflag:s0] =	ssyncadd.remote.s32 $0x1  }
0xbf: {  	_ =	sfence.sel $0xFFFF  }
0xc0: {  	[dreg:$0x0] =	wrdreg $0xFFFFFFFF;
	(pc) =	sbr.abs _section_cstart, $3  }
0xc1: {  	[dreg:$0x1] =	wrdreg $0xFFFFFFFF  }
0xc2: {  	_ =	task.clear_ibuf [dreg:s7], $0x2FFFF;
	_ =	strace $0x9FFFFFFF  }
0xc3: {  	(tm) =	ssettm $0x7FFFFFFF  }
tec
execute0_lowered:
.L_overlay_start_1:
0x0: {  	(tag) =	ssettag $0x1  }
0x1: {  	s0 =	rddreg [dreg:$0x0]  }
0x2: {  	s1 =	rddreg [dreg:$0x1]  }
0x3: {  	s2 =	rddreg [dreg:$0x2]  }
0x4: {  	s10 =	stileid.u32;
	s3 =	simm.s32 $0x0;
	s4 =	srdreg.scid  }
0x5: {  	s14 =	simm.s32 $0x10040;
	s15 =	simm.s32 $0x3;
	s16 =	simm.s32 $0x4E20  }
0x6: {  	s17 =	simm.s32 $0x50;
	s18 =	simm.s32 $0x9C40;
	s8 =	smul.u32 $0x4E20, s10  }
0x7: {  	s19 =	simm.s32 $0xB540;
	s22 =	simm.s32 $0x1;
	s6 =	smul.u32 $0x1900, s10  }
0x8: {  	s28 =	simm.s32 $0x0;
	s5 =	sand.u32 $0x1, s4;
	s10 =	smul.u32 $0x32000, s10  }
0x9: {  	[smem:$0x7FF] =	sst s3;
	s4 =	sadd.s32 $0x84200, s0;
	s7 =	smul.u32 $0x19000, s5  }
0xa: {  	_ =	strace $0x8000004A;
	s25 =	ssub.s32 $0x2, s5;
	s12 =	smul.u32 $0x4E200, s5  }
0xb: {  	s9 =	sshrl.u32 s8, $0x3;
	s26 =	sshrl.u32 s25, $0x1;
	s10 =	sshrl.u32 s10, $0x2  }
0xc: {  	s11 =	sadd.s32 s9, s0;
	s6 =	sadd.s32 s6, s7;
	s13 =	ssub.s32 s25, s26  }
0xd: {  	s5 =	sadd.s32 s10, s2;
	s31 =	sadd.s32 s8, s12;
	s26 =	simm.s32 $0x2  }
0xe: {  	s0 =	sadd.s32 s6, s0;
	s29 =	sadd.s32 $0x2800, s5;
	s30 =	sadd.s32 $0x5000, s5  }
0xf: {  	s8 =	sadd.s32 $0x7800, s5;
	s9 =	sadd.s32 $0xA000, s5;
	s10 =	sshrl.u32 s31, $0x3  }
0x10: {  	s11 =	sadd.s32 $0x2400, s11;
	s13 =	smax.u32 s13, $0x1;
	[dreg:$0x4] =	wrdreg s29  }
0x11: {  	v0 =	vimm.f32 $0.0e+00;
	[dreg:$0x5] =	wrdreg s30;
	s10 =	sadd.s32 s1, s10;
	s12 =	sadd.s32 $0xB6200, s0  }
.LBB2_1:
0x12: {  	s1 =	simm.s32 $0x140;
	s0 =	simm.s32 $0x0  }
.LBB2_2:
0x13: {  	p0 =	sne.s32 s1, $0x9EC0;
	[tilespmem:s0+$0x10080] =	vst v0;
	s20 =	smov.u32 s1;
	s1 =	sadd.s32 $0x140, s1  }
.Ltmp0:
0x14: {  	[tilespmem:s0+$0x10070] =	vst v0;
	(pc) =	sbr.rel @p0 .LBB2_2-.Ltmp0, $4  }
0x15: {  	[tilespmem:s0+$0x10060] =	vst v0  }
0x16: {  	[tilespmem:s0+$0x10040] =	vst v0  }
0x17: {  	[tilespmem:s0+$0x10050] =	vst v0  }
0x18: {  	s0 =	sshra.s32 s20, $0x2  }
0x19: {  	[tilespmem:s0+$0x10080] =	vst v0  }
0x1a: {  	[tilespmem:s0+$0x10070] =	vst v0  }
0x1b: {  	[tilespmem:s0+$0x10060] =	vst v0  }
0x1c: {  	[tilespmem:s0+$0x10040] =	vst v0  }
0x1d: {  	[tilespmem:s0+$0x10050] =	vst v0  }
0x1e: {  	[spmem:s5] =	stream.linear.scatter [tilespmem:s14], [sflag:$0x3], $0x2800, $0x38;
	[tilespmem:$0x1F040] =	vst v63  }
0x1f: {  	_ =	swait.ge [sflag:s15], $0x2800  }
0x20: {  	[sflag:s15] =	ssyncset.done $0x0  }
0x21: {  	s23 =	rddreg [dreg:$0x4];
	[sflag:s15] =	ssyncadd.s32 $0xFFFFD800  }
0x22: {  	[spmem:s23] =	stream.linear.scatter [tilespmem:s14], [sflag:$0x3], $0x2800, $0x38;
	[tilespmem:$0x1F040] =	vst v63  }
0x23: {  	_ =	swait.ge [sflag:s15], $0x2800  }
0x24: {  	[sflag:s15] =	ssyncset.done $0x0  }
0x25: {  	s24 =	rddreg [dreg:$0x5];
	[sflag:s15] =	ssyncadd.s32 $0xFFFFD800  }
0x26: {  	[spmem:s24] =	stream.linear.scatter [tilespmem:s14], [sflag:$0x3], $0x2800, $0x38;
	[tilespmem:$0x1F040] =	vst v63  }
0x27: {  	_ =	swait.ge [sflag:s15], $0x2800  }
0x28: {  	[sflag:s15] =	ssyncset.done $0x0  }
0x29: {  	[sflag:s15] =	ssyncadd.s32 $0xFFFFD800  }
0x2a: {  	[spmem:s8] =	stream.linear.scatter [tilespmem:s14], [sflag:$0x3], $0x2800, $0x38;
	[tilespmem:$0x1F040] =	vst v63  }
0x2b: {  	_ =	swait.ge [sflag:s15], $0x2800  }
0x2c: {  	[sflag:s15] =	ssyncset.done $0x0  }
0x2d: {  	[sflag:s15] =	ssyncadd.s32 $0xFFFFD800  }
0x2e: {  	[spmem:s9] =	stream.linear.scatter [tilespmem:s14], [sflag:$0x3], $0x2800, $0x38;
	[tilespmem:$0x1F040] =	vst v63  }
0x2f: {  	_ =	swait.ge [sflag:s15], $0x2800  }
0x30: {  	[sflag:s15] =	ssyncset.done $0x0  }
0x31: {  	[sflag:s15] =	ssyncadd.s32 $0xFFFFD800  }
0x32: {  	[tilespmem:s3], [sflag:$0x3] =	stream.linear.gather [hbm4b:s10+s3], $0x4E20, $0x38;
	[tilespmem:$0x1F040] =	vst v63  }
0x33: {  	_ =	swait.ge [sflag:s15], $0x4E20  }
0x34: {  	[sflag:s15] =	ssyncset.done $0x0  }
0x35: {  	[sflag:s15] =	ssyncadd.s32 $0xFFFFB1E0  }
0x36: {  	[tilespmem:s16], [sflag:$0x3] =	stream.linear.gather [hbm4b:s11+s3], $0x4E20, $0x38;
	[tilespmem:$0x1F040] =	vst v63  }
0x37: {  	_ =	swait.ge [sflag:s15], $0x4E20  }
0x38: {  	[sflag:s15] =	ssyncset.done $0x0  }
0x39: {  	[sflag:s15] =	ssyncadd.s32 $0xFFFFB1E0  }
0x3a: {  	[bflag:$0x0] =	sbarrier.arrive $0xFFFF  }
0x3b: {  	[tilespmem:s18], [sflag:$0x1] =	stream.indirect.gather [hbm4b:s4+s17], $0x50, s3, s17, $0xb8;
	[tilespmem:$0x1F040] =	vst v63  }
0x3c: {  	_ = 	snop  }
0x3d: {  	[tilespmem:s19], [sflag:$0x1] =	stream.indirect.gather [hbm4b:s4+s17], $0x50, s17, s17, $0xb8;
	[tilespmem:$0x1F040] =	vst v63  }
0x3e: {  	s25 =	simm.s32 $0xA0;
	s1 =	simm.s32 $0xCE40  }
0x3f: {  	[tilespmem:s1], [sflag:$0x1] =	stream.indirect.gather [hbm4b:s4+s17], $0x50, s25, s17, $0xb8;
	[tilespmem:$0x1F040] =	vst v63  }
0x40: {  	s6 =	simm.s32 $0xE740;
	_ =	swait.ge [sflag:s22], $0x1900  }
0x41: {  	s7 =	simm.s32 $0x4E70;
	s0 =	simm.s32 $0x4;
	[sflag:s22] =	ssyncset.done $0x0  }
0x42: {  	p0 =	por $0x0, $0x0;
	s20 =	simm.s32 $0x2;
	[sflag:s22] =	ssyncadd.s32 $0xFFFFE700  }
0x43: {  	[spmem:s2] =	stream.indirect.scatter.add.f32 [tilespmem:s18], [sflag:$0x2], $0x50, s16, s17, $0xb8;
	[tilespmem:$0x1F040] =	vst v63  }
0x44: {  	s30 =	simm.s32 $0x190;
	s0 =	sand.u32 @!p0 $0x2, s0;
	s1 =	simm.s32 $0xF0  }
0x45: {  	[tilespmem:s6], [sflag:$0x1] =	stream.indirect.gather [hbm4b:s4+s17], $0x50, s1, s17, $0xb8;
	[tilespmem:$0x1F040] =	vst v63  }
0x46: {  	p2 =	por $0x1, $0x1;
	s0 =	smul.u32 @!p0 $0x6400, s0;
	_ =	swait.ge [sflag:s22], $0x1900  }
0x47: {  	s31 =	simm.s32 @!p0 $0x50;
	s29 =	simm.s32 @!p0 $0x140;
	[sflag:s22] =	ssyncset.done $0x0  }
0x48: {  	p1 =	por p0, p0;
	s0 =	sshrl.u32 @!p0 s0, $0x2;
	[sflag:s22] =	ssyncadd.s32 $0xFFFFE700  }
0x49: {  	[spmem:s2] =	stream.indirect.scatter.add.f32 [tilespmem:s19], [sflag:$0x2], $0x50, s7, s17, $0xb8;
	[tilespmem:$0x1F040] =	vst v63  }
0x4a: {  	s0 =	sadd.s32 @!p0 $0x9C40, s0;
	s24 =	simm.s32 $0x3;
	_ =	swait.ge [sflag:s26], $0x1900  }
0x4b: {  	s1 =	sand.u32 $0x2, s20;
	s20 =	simm.s32 $0x5;
	[sflag:s26] =	ssyncset.done $0x0  }
0x4c: {  	s1 =	smul.u32 $0x6400, s1;
	s20 =	sand.u32 @!p0 $0x3, s20;
	[sflag:s26] =	ssyncadd.s32 $0xFFFFE700  }
0x4d: {  	[tilespmem:s0], [sflag:$0x1] =	stream.indirect.gather @!p0 [hbm4b:s4+s31], $0x50, s29, s31, $0xb8;
	[tilespmem:$0x1F040] =	vst v63  }
0x4e: {  	s25 =	sand.u32 $0x3, s24;
	s20 =	smul.u32 @!p0 $0x6400, s20;
	_ =	swait.ge [sflag:s22], $0x1900  }
.Ltmp1:
0x4f: {  	s21 =	sshrl.u32 s1, $0x2;
	[sflag:s22] =	ssyncset.done $0x0;
	(pc) =	sbr.rel @!p2 .LBB2_5-.Ltmp1, $4  }
0x50: {  	s23 =	sadd.s32 $0x9C40, s21;
	s29 =	simm.s32 $0x4EC0;
	[sflag:s22] =	ssyncadd.s32 $0xFFFFE700  }
0x51: {  	[spmem:s2] =	stream.indirect.scatter.add.f32 [tilespmem:s23], [sflag:$0x2], $0x50, s29, s17, $0xb8;
	[tilespmem:$0x1F040] =	vst v63  }
0x52: {  	s0 =	sshrl.u32 @!p0 s20, $0x2;
	s20 =	smul.u32 $0x6400, s25;
	_ =	swait.ge [sflag:s26], $0x1900  }
0x53: {  	s1 =	sadd.s32 @!p0 $0x9C40, s0;
	s0 =	simm.s32 $0x7;
	[sflag:s26] =	ssyncset.done $0x0  }
.LBB2_4:
0x54: {  	s21 =	sadd.s32 $0xFFFFFFFD, s0;
	[sflag:s26] =	ssyncadd.s32 $0xFFFFE700;
	s23 =	sadd.s32 $0x50, s29  }
0x55: {  	s25 =	sadd.s32 $0xFFFFFFFF, s0;
	s24 =	sand.u32 $0x2, s21;
	p0 =	sgt.u32 s21, $0xF7  }
0x56: {  	[tilespmem:s1], [sflag:$0x1] =	stream.indirect.gather @!p1 [hbm4b:s4+s31], $0x50, s30, s31, $0xb8;
	[tilespmem:$0x1F040] =	vst v63  }
0x57: {  	s1 =	sand.u32 @!p0 $0x2, s25;
	s24 =	smul.u32 $0x6400, s24;
	_ =	swait.ge [sflag:s22], $0x1900  }
0x58: {  	s25 =	sand.u32 @!p0 $0x3, s0;
	s1 =	smul.u32 @!p0 $0x6400, s1;
	[sflag:s22] =	ssyncset.done $0x0  }
0x59: {  	s20 =	sshrl.u32 s20, $0x2;
	s30 =	sadd.s32 $0xA0, s30;
	[sflag:s22] =	ssyncadd.s32 $0xFFFFE700  }
0x5a: {  	s31 =	simm.s32 @!p0 $0x50;
	s25 =	smul.u32 @!p0 $0x6400, s25;
	s1 =	sshrl.u32 @!p0 s1, $0x2  }
0x5b: {  	s7 =	sadd.s32 @!p0 $0xFFFFFFB0, s30;
	s6 =	sadd.s32 @!p0 $0x9C40, s1;
	s1 =	sadd.s32 $0x9C40, s20  }
0x5c: {  	[spmem:s2] =	stream.indirect.scatter.add.f32 [tilespmem:s1], [sflag:$0x2], $0x50, s23, s17, $0xb8;
	[tilespmem:$0x1F040] =	vst v63  }
0x5d: {  	s29 =	sadd.s32 $0xA0, s29;
	s1 =	sshrl.u32 @!p0 s25, $0x2;
	_ =	swait.ge [sflag:s26], $0x1900  }
0x5e: {  	s20 =	sshrl.u32 s24, $0x2;
	s1 =	sadd.s32 @!p0 $0x9C40, s1;
	[sflag:s26] =	ssyncset.done $0x0  }
0x5f: {  	p2 =	slt.u32 s21, $0xF8;
	s20 =	sadd.s32 $0x9C40, s20;
	[sflag:s26] =	ssyncadd.s32 $0xFFFFE700  }
0x60: {  	[tilespmem:s6], [sflag:$0x1] =	stream.indirect.gather @!p0 [hbm4b:s4+s31], $0x50, s7, s31, $0xb8;
	[tilespmem:$0x1F040] =	vst v63  }
0x61: {  	p1 =	por p0, p0;
	_ =	swait.ge [sflag:s22], $0x1900  }
.Ltmp2:
0x62: {  	s6 =	sadd.s32 $0xFFFFFFFE, s0;
	[sflag:s22] =	ssyncset.done $0x0;
	(pc) =	sbr.rel @p2 .LBB2_4-.Ltmp2, $4  }
0x63: {  	s6 =	sand.u32 $0x3, s6;
	[sflag:s22] =	ssyncadd.s32 $0xFFFFE700  }
0x64: {  	[spmem:s2] =	stream.indirect.scatter.add.f32 [tilespmem:s20], [sflag:$0x2], $0x50, s29, s17, $0xb8;
	[tilespmem:$0x1F040] =	vst v63  }
0x65: {  	s20 =	smul.u32 $0x6400, s6;
	_ =	swait.ge [sflag:s26], $0x1900  }
0x66: {  	s0 =	sadd.s32 $0x2, s0;
	[sflag:s26] =	ssyncset.done $0x0  }
.LBB2_5:
0x67: {  	[sflag:s26] =	ssyncadd.s32 $0xFFFFE700  }
0x68: {  	[tilespmem:s1], [sflag:$0x1] =	stream.indirect.gather @!p1 [hbm4b:s4+s31], $0x50, s30, s31, $0xb8;
	[tilespmem:$0x1F040] =	vst v63  }
0x69: {  	_ =	swait.ge [sflag:s22], $0x1900  }
0x6a: {  	s0 =	sshrl.u32 s20, $0x2;
	[sflag:s22] =	ssyncset.done $0x0  }
0x6b: {  	s29 =	sadd.s32 $0x50, s29;
	s0 =	sadd.s32 $0x9C40, s0;
	[sflag:s22] =	ssyncadd.s32 $0xFFFFE700  }
0x6c: {  	[spmem:s2] =	stream.indirect.scatter.add.f32 [tilespmem:s0], [sflag:$0x2], $0x50, s29, s17, $0xb8;
	[tilespmem:$0x1F040] =	vst v63  }
0x6d: {  	_ =	swait.ge [sflag:s26], $0x1900  }
0x6e: {  	[sflag:s26] =	ssyncset.done $0x0  }
0x6f: {  	[sflag:s26] =	ssyncadd.s32 $0xFFFFE700  }
0x70: {  	s28 =	sadd.s32 $0x1, s28;
	_ =	swait.ge [sflag:s26], $0x1900  }
0x71: {  	s30 =	stileid.u32;
	s31 =	sshrl.u32 s5, $0x3;
	[sflag:s26] =	ssyncset.done $0x0  }
0x72: {  	p0 =	sne.s32 s28, s13;
	s0 =	sshll.u32 s30, $0x6;
	[sflag:s26] =	ssyncadd.s32 $0xFFFFE700  }
.Ltmp3:
0x73: {  	s0 =	sor.u32 $0x1C03, s0;
	[bflag:$0x0] =	sbarrier.arrive $0xFFFF;
	(pc) =	sbr.rel @p0 .LBB2_1-.Ltmp3, $4  }
0x74: {  	[hbm:s12], [sflag:s0] =	dma.local [spmem:s31], $0x1900  }
0x75: {  	_ =	swait.ge [sflag:s15], $0x1900  }
0x76: {  	[sflag:s15] =	ssyncset.done $0x0  }
0x77: {  	[sflag:s15] =	ssyncadd.s32 $0xFFFFE700  }
0x78: {  	_ =	sfence.sel $0x180000  }
0x79: {  	[bflag:$0x0] =	sbarrier.arrive $0xFFFF  }
0x7a: {  	_ =	strace $0x9000004A  }
0x7b: {  	s0 =	stileid.u32;
	[bflag:$0x2] =	sbarrier.arrive $0xFFFF  }
0x7c: {  	p0 =	sne.s32 s0, $0x0;
	s0 =	rddreg [dreg:$0x3]  }
0x7d: {  	s0 =	sadd.s32 @!p0 $0x100000, s0  }
0x7e: {  	[sflag:s0] =	ssyncadd.tile.s32 @!p0 $0x1;
	_ =	shalt  }
.Lfunc_end2:
_tile_overlayer_lowered:
.L_overlay_start_2:
0x7f: {  	(tag) =	ssettag $0x2  }
0x80: {  	s0 =	rddreg [dreg:$0x0];
	s2 =	stileid.u32  }
0x81: {  	s1 =	rddreg [dreg:$0x1];
	p0 =	sne.s32 s2, $0x0  }
0x82: {  	s3 =	rddreg [dreg:$0x2];
	[bflag:$0x3] =	sbarrier.arrive $0xFFFF;
	s2 =	simm.s32 @!p0 $0x1C03  }
0x83: {  	[timem:s3], [sflag:s2] =	dma.local @!p0 [hbm:s0], s1  }
0x84: {  	s0 =	simm.s32 @!p0 $0x3  }
0x85: {  	_ =	swait.ge @!p0 [sflag:s0], s1  }
0x86: {  	s1 =	ssub.s32 @!p0 $0x0, s1;
	[sflag:s0] =	ssyncset.done @!p0 $0x0  }
0x87: {  	[sflag:s0] =	ssyncadd.s32 @!p0 s1  }
0x88: {  	[bflag:$0x3] =	sbarrier.arrive $0xFFFF  }
0x89: {  	_ =	shalt  }

// kernel: kernel.15.cloned.1.call-start
scs
__scs_entry_jumppad:
0x0: {  	(pc) =	sbr.rel $0x88, $3  }
0x1: {  	(tag) =	ssettag $0x0;
	lr =	simm.s32 $0x1  }
0x2: {  	[smem:$0x3F9B] =	sst lr;
	_ =	strace $0xD0000000  }
0x3: {  	_ = 	snop  }
0x4: {  	_ = 	snop  }
0x5: {  	_ = 	snop  }
0x6: {  	_ = 	snop  }
0x7: {  	_ = 	snop  }
__scs_overlays_trampoline_lowered:
0x8: {  	[smem:$0x3FAA] =	sst s0  }
0x9: {  	[smem:$0x3FAB] =	sst s1  }
0xa: {  	[smem:$0x3FAC] =	sst s2  }
0xb: {  	[smem:$0x3FAD] =	sst s3  }
0xc: {  	[smem:$0x3FAE] =	sst s4  }
0xd: {  	[smem:$0x3FAF] =	sst s5  }
0xe: {  	[smem:$0x3FB0] =	sst s6  }
0xf: {  	[smem:$0x3FB1] =	sst s7  }
0x10: {  	[smem:$0x3FB2] =	sst s8  }
0x11: {  	[smem:$0x3FB3] =	sst s9;
	s0 =	simm.s32 @!p0 $0x0  }
0x12: {  	s1 =	sld [smem:$0x3F99];
	s0 =	simm.s32 @p0 $0x1  }
0x13: {  	[smem:$0x3FB4] =	sst s0;
	s0 =	simm.s32 @!p1 $0x0  }
0x14: {  	s2 =	sld [smem:$0x3F98];
	s0 =	simm.s32 @p1 $0x1  }
0x15: {  	[smem:$0x3FB5] =	sst s0;
	s0 =	simm.s32 @!p2 $0x0  }
0x16: {  	s3 =	sld [smem:$0x3FDB];
	s0 =	simm.s32 @p2 $0x1  }
0x17: {  	s4 =	simm.s32 $0x1BF5;
	[smem:$0x3FB7] =	sst s0  }
0x18: {  	s0 =	sld [smem:$0x3F9A];
	_ =	swait.ge [sflag:s4], $0x0  }
0x19: {  	s7 =	sld [smem:$0x3F9B]  }
0x1a: {  	s8 =	sadd.s32 $0xFFFFE003, lr  }
0x1b: {  	s9 =	sadd.s32 $0xFFFFFEF7, lr;
	s5 =	simm.s32 $0xFFFFFFFF;
	p2 =	slt.u32 s8, $0xFFFFF086  }
0x1c: {  	p1 =	slt.u32 s9, $0xF7A;
	s5 =	simm.s32 @!p2 $0x0  }
0x1d: {  	s5 =	simm.s32 @p1 $0x1;
	p0 =	seq.s32 s7, s2  }
0x1e: {  	s7 =	smul.u32 @!p0 $0xF7A, s2;
	p2 =	seq.s32 @!p0 s5, $0x0  }
0x1f: {  	s9 =	smul.u32 $0xF7A, s1;
	s8 =	simm.s32 @!p0 $0x1BF5;
	p2 =	por !p2, p0  }
0x20: {  	[sflag:s8] =	ssyncset.s32 @!p0 $0xFFFFF086;
	s6 =	sadd.s32 @!p0 s3, s7;
	s7 =	simm.s32 @!p0 $0x108  }
0x21: {  	s3 =	sadd.s32 s3, s9;
	s6 =	sadd.s32 @!p0 $0x88, s6;
	s7 =	simm.s32 @p2 $0x1082  }
0x22: {  	[simem:s7], [sflag:s8] =	dma.local @!p0 [hbm:s6], $0xF7A  }
0x23: {  	s9 =	sor.u32 $0xD0000000, s2;
	s6 =	simm.s32 $0x108;
	_ =	swait.ge @!p0 [sflag:s8], $0x0  }
0x24: {  	s3 =	sadd.s32 $0x88, s3;
	s6 =	simm.s32 @!p1 $0x1082;
	[sflag:s4] =	ssyncset.s32 $0xFFFFF086  }
0x25: {  	[simem:s6], [sflag:s4] =	dma.local [hbm:s3], $0xF7A  }
0x26: {  	[smem:$0x3F9B] =	sst s1;
	(tag) =	ssettag s2;
	_ =	strace s9  }
0x27: {  	s1 =	sld [smem:$0x3FAB]  }
0x28: {  	s2 =	sld [smem:$0x3FAC]  }
0x29: {  	s4 =	sld [smem:$0x3FAE]  }
0x2a: {  	p0 =	seq.s32 s5, $0x0;
	s5 =	sld [smem:$0x3FAF]  }
0x2b: {  	s6 =	sld [smem:$0x3FB0]  }
0x2c: {  	s7 =	sld [smem:$0x3FB1]  }
0x2d: {  	s3 =	simm.s32 $0x108;
	s8 =	sld [smem:$0x3FB2]  }
0x2e: {  	s3 =	simm.s32 @!p0 $0x1082;
	s9 =	sld [smem:$0x3FB3]  }
0x2f: {  	lr =	sadd.s32 s0, s3;
	s0 =	sld [smem:$0x3FAA]  }
0x30: {  	s3 =	sld [smem:$0x3FAD]  }
0x31: {  	[smem:$0x3FB6] =	sst s10  }
0x32: {  	s10 =	sld [smem:$0x3FB4];
	_ =	sdelay $0x3  }
0x33: {  	p0 =	seq.s32 s10, $0x1;
	s10 =	sld [smem:$0x3FB6];
	_ =	sdelay $0x3  }
0x34: {  	[smem:$0x3FB6] =	sst s10  }
0x35: {  	s10 =	sld [smem:$0x3FB5];
	_ =	sdelay $0x3  }
0x36: {  	p1 =	seq.s32 s10, $0x1;
	s10 =	sld [smem:$0x3FB6];
	_ =	sdelay $0x3  }
0x37: {  	[smem:$0x3FB6] =	sst s10  }
0x38: {  	s10 =	sld [smem:$0x3FB7]  }
0x39: {  	_ = 	snop;
	(pc) =	sbr.ind lr, $3  }
0x3a: {  	_ = 	snop  }
0x3b: {  	_ = 	snop  }
0x3c: {  	p2 =	seq.s32 s10, $0x1;
	s10 =	sld [smem:$0x3FB6]  }
0x3d: {  	_ =	shalt  }
0x3e: {  	_ =	shalt  }
0x3f: {  	_ =	shalt  }
0x40: {  	_ =	shalt  }
0x41: {  	_ =	shalt  }
0x42: {  	_ =	shalt  }
0x43: {  	_ =	shalt  }
0x44: {  	_ =	shalt  }
0x45: {  	_ =	shalt  }
0x46: {  	_ =	shalt  }
0x47: {  	_ =	shalt  }
0x48: {  	_ =	shalt  }
0x49: {  	_ =	shalt  }
0x4a: {  	_ =	shalt  }
0x4b: {  	_ =	shalt  }
0x4c: {  	_ =	shalt  }
0x4d: {  	_ =	shalt  }
0x4e: {  	_ =	shalt  }
0x4f: {  	_ =	shalt  }
0x50: {  	_ =	shalt  }
0x51: {  	_ =	shalt  }
0x52: {  	_ =	shalt  }
0x53: {  	_ =	shalt  }
0x54: {  	_ =	shalt  }
0x55: {  	_ =	shalt  }
0x56: {  	_ =	shalt  }
0x57: {  	_ =	shalt  }
0x58: {  	_ =	shalt  }
0x59: {  	_ =	shalt  }
0x5a: {  	_ =	shalt  }
0x5b: {  	_ =	shalt  }
0x5c: {  	_ =	shalt  }
0x5d: {  	_ =	shalt  }
0x5e: {  	_ =	shalt  }
0x5f: {  	_ =	shalt  }
0x60: {  	_ =	shalt  }
0x61: {  	_ =	shalt  }
0x62: {  	_ =	shalt  }
0x63: {  	_ =	shalt  }
0x64: {  	_ =	shalt  }
0x65: {  	_ =	shalt  }
0x66: {  	_ =	shalt  }
0x67: {  	_ =	shalt  }
0x68: {  	_ =	shalt  }
0x69: {  	_ =	shalt  }
0x6a: {  	_ =	shalt  }
0x6b: {  	_ =	shalt  }
0x6c: {  	_ =	shalt  }
0x6d: {  	_ =	shalt  }
0x6e: {  	_ =	shalt  }
0x6f: {  	_ =	shalt  }
0x70: {  	_ =	shalt  }
0x71: {  	_ =	shalt  }
0x72: {  	_ =	shalt  }
0x73: {  	_ =	shalt  }
0x74: {  	_ =	shalt  }
0x75: {  	_ =	shalt  }
0x76: {  	_ =	shalt  }
0x77: {  	_ =	shalt  }
0x78: {  	_ =	shalt  }
0x79: {  	_ =	shalt  }
0x7a: {  	_ =	shalt  }
0x7b: {  	_ =	shalt  }
0x7c: {  	_ =	shalt  }
0x7d: {  	_ =	shalt  }
0x7e: {  	_ =	shalt  }
0x7f: {  	_ =	shalt  }
0x80: {  	_ =	shalt  }
0x81: {  	_ =	shalt  }
0x82: {  	_ =	shalt  }
0x83: {  	_ =	shalt  }
0x84: {  	_ =	shalt  }
0x85: {  	_ =	shalt  }
0x86: {  	_ =	shalt  }
0x87: {  	_ =	shalt  }
.Lfunc_end0:
.L_simem_size_0:
called_computation.2_lowered:
.L_overlay_start_0:
0x88: {  	s2 =	sld [smem:$0x3FD9]  }
0x89: {  	s3 =	sld [smem:$0x3FFE];
	_ =	sdelay $0x1  }
0x8a: {  	s1 =	srdreg.scid  }
0x8b: {  	s0 =	sand.u32 $0x1, s1  }
0x8c: {  	s17 =	sshll.u32 s0, $0xA;
	s2 =	sadd.s32 s3, s2  }
0x8d: {  	s2 =	sadd.s32 s2, s17  }
0x8e: {  	[smem:$0x3FC2] =	sst s2  }
0x8f: {  	_ = 	snop  }
0x90: {  	s2 =	sld [smem:$0x3FD0];
	(tm) =	ssettm $0x1  }
0x91: {  	s18 =	sld [smem:$0x3FFB];
	_ =	sdelay $0x3  }
0x92: {  	_ =	strace s18  }
0x93: {  	s3 =	sld [smem:$0x3FFC];
	_ =	sdelay $0x3  }
0x94: {  	_ =	strace s3  }
0x95: {  	s3 =	sld [smem:$0x3FFD];
	_ =	sdelay $0x3  }
0x96: {  	_ =	strace s3  }
0x97: {  	_ =	strace $0x8FFFFFFF  }
0x98: {  	s19 =	sld [smem:$0x3FDB];
	_ =	sdelay $0x1  }
0x99: {  	s4 =	simm.s32 $_scs_section_size  }
0x9a: {  	s5 =	simm.s32 $_size__tile_overlayer_lowered;
	s6 =	simm.s32 $_tile_overlayer_lowered  }
0x9b: {  	s22 =	simm.s32 $0x1BFF;
	s21 =	sshll.u32 s6, $0x1;
	s3 =	sadd.s32 s4, s19  }
0x9c: {  	s7 =	simm.s32 $0x0;
	s20 =	sshll.u32 s5, $0x1;
	s5 =	sadd.s32 s21, s3  }
0x9d: {  	[timem:s7], [sflag:s22] =	dma.local [hbm:s5], s20  }
0x9e: {  	_ =	swait.ge [sflag:s22], s20  }
0x9f: {  	s4 =	ssub.s32 $0x0, s20;
	[sflag:s22] =	ssyncset.done $0x0  }
0xa0: {  	[sflag:s22] =	ssyncadd.s32 s4;
	_ =	sdelay $0x1  }
0xa1: {  	s23 =	simm.s32 $0x1B8B  }
0xa2: {  	_ =	swait.ge [sflag:s23], $0x1  }
0xa3: {  	[sflag:s23] =	ssyncset.done $0x0  }
0xa4: {  	s25 =	simm.s32 $0x1B8E;
	s24 =	sld [smem:$0x3FFE];
	[sflag:s23] =	ssyncadd.s32 $0xFFFFFFFF  }
0xa5: {  	s26 =	simm.s32 $execute0_lowered;
	[smem:$0x3FD2] =	sst s25  }
0xa6: {  	s5 =	sshll.u32 s26, $0x1;
	_ =	strace $0x8000004C;
	[dreg:$0x1] =	wrdreg $0xFFFFFFFF  }
0xa7: {  	s28 =	simm.s32 $_size_execute0_lowered;
	s3 =	sadd.s32 s3, s5;
	[dreg:$0x0] =	wrdreg $0x0  }
0xa8: {  	s5 =	sshll.u32 s28, $0x1;
	[dreg:$0x2] =	wrdreg s3  }
0xa9: {  	[dreg:$0x3] =	wrdreg s5  }
0xaa: {  	[dreg:$0x4] =	wrdreg $0xC0  }
0xab: {  	_ =	task [dreg:s7], $0x5FFFF  }
0xac: {  	[dreg:$0x1] =	wrdreg $0xFFFFFFFF  }
0xad: {  	[dreg:$0x0] =	wrdreg $0x60  }
0xae: {  	[dreg:$0x2] =	wrdreg s24  }
0xaf: {  	[dreg:$0x3] =	wrdreg s2  }
0xb0: {  	[dreg:$0x4] =	wrdreg $0x10C400  }
0xb1: {  	[dreg:$0x5] =	wrdreg $0x9  }
0xb2: {  	_ =	task.clear_ibuf [dreg:s7], $0x6FFFF;
	_ =	strace $0x9000004C  }
0xb3: {  	s29 =	simm.s32 $0x9;
	_ =	strace $0x8000004E  }
0xb4: {  	_ =	swait.ge [sflag:s29], $0x1  }
0xb5: {  	[sflag:s29] =	ssyncadd.s32 $0xFFFFFFFF  }
0xb6: {  	_ =	strace $0x9000004E  }
0xb7: {  	_ =	sfence  }
0xb8: {  	s30 =	sld [smem:$0x0];
	_ =	sdelay $0x2  }
0xb9: {  	s31 =	sshll.u32 s1, $0xD;
	s1 =	sshrl.u32 s1, $0x2  }
0xba: {  	s3 =	sand.u32 $0x4000, s31;
	s1 =	sadd.s32 s1, s30  }
0xbb: {  	s0 =	sor.u32 s3, s0;
	s1 =	sshll.u32 s1, $0x11  }
0xbc: {  	s0 =	sor.u32 s1, s0  }
0xbd: {  	s0 =	sadd.s32 $0x8F2B, s0  }
0xbe: {  	[sflag:s0] =	ssyncadd.remote.s32 $0x1  }
0xbf: {  	_ =	sfence.sel $0xFFFF  }
0xc0: {  	[dreg:$0x0] =	wrdreg $0xFFFFFFFF;
	(pc) =	sbr.abs _section_cstart, $3  }
0xc1: {  	[dreg:$0x1] =	wrdreg $0xFFFFFFFF  }
0xc2: {  	_ =	task.clear_ibuf [dreg:s7], $0x2FFFF;
	_ =	strace $0x9FFFFFFF  }
0xc3: {  	(tm) =	ssettm $0x7FFFFFFF  }
tec
execute0_lowered:
.L_overlay_start_1:
0x0: {  	(tag) =	ssettag $0x1  }
0x1: {  	s0 =	rddreg [dreg:$0x0]  }
0x2: {  	s1 =	rddreg [dreg:$0x1]  }
0x3: {  	s2 =	rddreg [dreg:$0x2]  }
0x4: {  	s10 =	stileid.u32;
	s3 =	simm.s32 $0x0;
	s4 =	srdreg.scid  }
0x5: {  	s14 =	simm.s32 $0xEC40;
	s15 =	simm.s32 $0x3;
	s16 =	simm.s32 $0x4E20  }
0x6: {  	s17 =	simm.s32 $0x50;
	s18 =	simm.s32 $0x9C40;
	s8 =	smul.u32 $0x4E20, s10  }
0x7: {  	s19 =	simm.s32 $0xB040;
	s22 =	simm.s32 $0x1;
	s6 =	smul.u32 $0x1400, s10  }
0x8: {  	s28 =	simm.s32 $0x0;
	s5 =	sand.u32 $0x1, s4;
	s10 =	smul.u32 $0x28000, s10  }
0x9: {  	[smem:$0x7FF] =	sst s3;
	s4 =	sadd.s32 $0x84200, s0;
	s7 =	smul.u32 $0x14000, s5  }
0xa: {  	_ =	strace $0x8000004D;
	s25 =	ssub.s32 $0x2, s5;
	s12 =	smul.u32 $0x4E200, s5  }
0xb: {  	s9 =	sshrl.u32 s8, $0x3;
	s26 =	sshrl.u32 s25, $0x1;
	s10 =	sshrl.u32 s10, $0x2  }
0xc: {  	s11 =	sadd.s32 s9, s0;
	s6 =	sadd.s32 s6, s7;
	s13 =	ssub.s32 s25, s26  }
0xd: {  	s5 =	sadd.s32 s10, s2;
	s31 =	sadd.s32 s8, s12;
	s26 =	simm.s32 $0x2  }
0xe: {  	s0 =	sadd.s32 s6, s0;
	s29 =	sadd.s32 $0x2000, s5;
	s30 =	sadd.s32 $0x4000, s5  }
0xf: {  	s8 =	sadd.s32 $0x6000, s5;
	s9 =	sadd.s32 $0x8000, s5;
	s10 =	sshrl.u32 s31, $0x3  }
0x10: {  	s11 =	sadd.s32 $0x2400, s11;
	s13 =	smax.u32 s13, $0x1;
	[dreg:$0x4] =	wrdreg s29  }
0x11: {  	v0 =	vimm.f32 $0.0e+00;
	[dreg:$0x5] =	wrdreg s30;
	s10 =	sadd.s32 s1, s10;
	s12 =	sadd.s32 $0xAC200, s0  }
.LBB2_1:
0x12: {  	s1 =	simm.s32 $0x100;
	s0 =	simm.s32 $0x0  }
.LBB2_2:
0x13: {  	p0 =	sne.s32 s1, $0x7F00;
	[tilespmem:s0+$0xEC70] =	vst v0;
	s20 =	smov.u32 s1;
	s1 =	sadd.s32 $0x100, s1  }
.Ltmp0:
0x14: {  	[tilespmem:s0+$0xEC60] =	vst v0;
	(pc) =	sbr.rel @p0 .LBB2_2-.Ltmp0, $3  }
0x15: {  	[tilespmem:s0+$0xEC40] =	vst v0  }
0x16: {  	[tilespmem:s0+$0xEC50] =	vst v0;
	_ =	sdelay $0x1  }
0x17: {  	s0 =	sshra.s32 s20, $0x2  }
0x18: {  	[tilespmem:s0+$0xEC70] =	vst v0  }
0x19: {  	[tilespmem:s0+$0xEC60] =	vst v0  }
0x1a: {  	[tilespmem:s0+$0xEC40] =	vst v0  }
0x1b: {  	[tilespmem:s0+$0xEC50] =	vst v0  }
0x1c: {  	[spmem:s5] =	stream.linear.scatter [tilespmem:s14], [sflag:$0x3], $0x2000, $0x38;
	[tilespmem:$0x1AC40] =	vst v63  }
0x1d: {  	_ =	swait.ge [sflag:s15], $0x2000  }
0x1e: {  	[sflag:s15] =	ssyncset.done $0x0  }
0x1f: {  	s23 =	rddreg [dreg:$0x4];
	[sflag:s15] =	ssyncadd.s32 $0xFFFFE000  }
0x20: {  	[spmem:s23] =	stream.linear.scatter [tilespmem:s14], [sflag:$0x3], $0x2000, $0x38;
	[tilespmem:$0x1AC40] =	vst v63  }
0x21: {  	_ =	swait.ge [sflag:s15], $0x2000  }
0x22: {  	[sflag:s15] =	ssyncset.done $0x0  }
0x23: {  	s24 =	rddreg [dreg:$0x5];
	[sflag:s15] =	ssyncadd.s32 $0xFFFFE000  }
0x24: {  	[spmem:s24] =	stream.linear.scatter [tilespmem:s14], [sflag:$0x3], $0x2000, $0x38;
	[tilespmem:$0x1AC40] =	vst v63  }
0x25: {  	_ =	swait.ge [sflag:s15], $0x2000  }
0x26: {  	[sflag:s15] =	ssyncset.done $0x0  }
0x27: {  	[sflag:s15] =	ssyncadd.s32 $0xFFFFE000  }
0x28: {  	[spmem:s8] =	stream.linear.scatter [tilespmem:s14], [sflag:$0x3], $0x2000, $0x38;
	[tilespmem:$0x1AC40] =	vst v63  }
0x29: {  	_ =	swait.ge [sflag:s15], $0x2000  }
0x2a: {  	[sflag:s15] =	ssyncset.done $0x0  }
0x2b: {  	[sflag:s15] =	ssyncadd.s32 $0xFFFFE000  }
0x2c: {  	[spmem:s9] =	stream.linear.scatter [tilespmem:s14], [sflag:$0x3], $0x2000, $0x38;
	[tilespmem:$0x1AC40] =	vst v63  }
0x2d: {  	_ =	swait.ge [sflag:s15], $0x2000  }
0x2e: {  	[sflag:s15] =	ssyncset.done $0x0  }
0x2f: {  	[sflag:s15] =	ssyncadd.s32 $0xFFFFE000  }
0x30: {  	[tilespmem:s3], [sflag:$0x3] =	stream.linear.gather [hbm4b:s10+s3], $0x4E20, $0x38;
	[tilespmem:$0x1AC40] =	vst v63  }
0x31: {  	_ =	swait.ge [sflag:s15], $0x4E20  }
0x32: {  	[sflag:s15] =	ssyncset.done $0x0  }
0x33: {  	[sflag:s15] =	ssyncadd.s32 $0xFFFFB1E0  }
0x34: {  	[tilespmem:s16], [sflag:$0x3] =	stream.linear.gather [hbm4b:s11+s3], $0x4E20, $0x38;
	[tilespmem:$0x1AC40] =	vst v63  }
0x35: {  	_ =	swait.ge [sflag:s15], $0x4E20  }
0x36: {  	[sflag:s15] =	ssyncset.done $0x0  }
0x37: {  	[sflag:s15] =	ssyncadd.s32 $0xFFFFB1E0  }
0x38: {  	[bflag:$0x0] =	sbarrier.arrive $0xFFFF  }
0x39: {  	[tilespmem:s18], [sflag:$0x1] =	stream.indirect.gather [hbm4b:s4+s17], $0x40, s3, s17, $0xb8;
	[tilespmem:$0x1AC40] =	vst v63  }
0x3a: {  	_ = 	snop  }
0x3b: {  	[tilespmem:s19], [sflag:$0x1] =	stream.indirect.gather [hbm4b:s4+s17], $0x40, s17, s17, $0xb8;
	[tilespmem:$0x1AC40] =	vst v63  }
0x3c: {  	s25 =	simm.s32 $0xA0;
	s1 =	simm.s32 $0xC440  }
0x3d: {  	[tilespmem:s1], [sflag:$0x1] =	stream.indirect.gather [hbm4b:s4+s17], $0x40, s25, s17, $0xb8;
	[tilespmem:$0x1AC40] =	vst v63  }
0x3e: {  	s6 =	simm.s32 $0xD840;
	_ =	swait.ge [sflag:s22], $0x1400  }
0x3f: {  	s7 =	simm.s32 $0x4E70;
	s0 =	simm.s32 $0x4;
	[sflag:s22] =	ssyncset.done $0x0  }
0x40: {  	p0 =	por $0x0, $0x0;
	s20 =	simm.s32 $0x2;
	[sflag:s22] =	ssyncadd.s32 $0xFFFFEC00  }
0x41: {  	[spmem:s2] =	stream.indirect.scatter.add.f32 [tilespmem:s18], [sflag:$0x2], $0x40, s16, s17, $0xb8;
	[tilespmem:$0x1AC40] =	vst v63  }
0x42: {  	s30 =	simm.s32 $0x190;
	s0 =	sand.u32 @!p0 $0x2, s0;
	s1 =	simm.s32 $0xF0  }
0x43: {  	[tilespmem:s6], [sflag:$0x1] =	stream.indirect.gather [hbm4b:s4+s17], $0x40, s1, s17, $0xb8;
	[tilespmem:$0x1AC40] =	vst v63  }
0x44: {  	p2 =	por $0x1, $0x1;
	s0 =	smul.u32 @!p0 $0x5000, s0;
	_ =	swait.ge [sflag:s22], $0x1400  }
0x45: {  	s31 =	simm.s32 @!p0 $0x50;
	s29 =	simm.s32 @!p0 $0x140;
	[sflag:s22] =	ssyncset.done $0x0  }
0x46: {  	p1 =	por p0, p0;
	s0 =	sshrl.u32 @!p0 s0, $0x2;
	[sflag:s22] =	ssyncadd.s32 $0xFFFFEC00  }
0x47: {  	[spmem:s2] =	stream.indirect.scatter.add.f32 [tilespmem:s19], [sflag:$0x2], $0x40, s7, s17, $0xb8;
	[tilespmem:$0x1AC40] =	vst v63  }
0x48: {  	s0 =	sadd.s32 @!p0 $0x9C40, s0;
	s24 =	simm.s32 $0x3;
	_ =	swait.ge [sflag:s26], $0x1400  }
0x49: {  	s1 =	sand.u32 $0x2, s20;
	s20 =	simm.s32 $0x5;
	[sflag:s26] =	ssyncset.done $0x0  }
0x4a: {  	s1 =	smul.u32 $0x5000, s1;
	s20 =	sand.u32 @!p0 $0x3, s20;
	[sflag:s26] =	ssyncadd.s32 $0xFFFFEC00  }
0x4b: {  	[tilespmem:s0], [sflag:$0x1] =	stream.indirect.gather @!p0 [hbm4b:s4+s31], $0x40, s29, s31, $0xb8;
	[tilespmem:$0x1AC40] =	vst v63  }
0x4c: {  	s25 =	sand.u32 $0x3, s24;
	s20 =	smul.u32 @!p0 $0x5000, s20;
	_ =	swait.ge [sflag:s22], $0x1400  }
.Ltmp1:
0x4d: {  	s21 =	sshrl.u32 s1, $0x2;
	[sflag:s22] =	ssyncset.done $0x0;
	(pc) =	sbr.rel @!p2 .LBB2_5-.Ltmp1, $4  }
0x4e: {  	s23 =	sadd.s32 $0x9C40, s21;
	s29 =	simm.s32 $0x4EC0;
	[sflag:s22] =	ssyncadd.s32 $0xFFFFEC00  }
0x4f: {  	[spmem:s2] =	stream.indirect.scatter.add.f32 [tilespmem:s23], [sflag:$0x2], $0x40, s29, s17, $0xb8;
	[tilespmem:$0x1AC40] =	vst v63  }
0x50: {  	s0 =	sshrl.u32 @!p0 s20, $0x2;
	s20 =	smul.u32 $0x5000, s25;
	_ =	swait.ge [sflag:s26], $0x1400  }
0x51: {  	s1 =	sadd.s32 @!p0 $0x9C40, s0;
	s0 =	simm.s32 $0x7;
	[sflag:s26] =	ssyncset.done $0x0  }
.LBB2_4:
0x52: {  	s21 =	sadd.s32 $0xFFFFFFFD, s0;
	[sflag:s26] =	ssyncadd.s32 $0xFFFFEC00;
	s23 =	sadd.s32 $0x50, s29  }
0x53: {  	s25 =	sadd.s32 $0xFFFFFFFF, s0;
	s24 =	sand.u32 $0x2, s21;
	p0 =	sgt.u32 s21, $0xF7  }
0x54: {  	[tilespmem:s1], [sflag:$0x1] =	stream.indirect.gather @!p1 [hbm4b:s4+s31], $0x40, s30, s31, $0xb8;
	[tilespmem:$0x1AC40] =	vst v63  }
0x55: {  	s1 =	sand.u32 @!p0 $0x2, s25;
	s24 =	smul.u32 $0x5000, s24;
	_ =	swait.ge [sflag:s22], $0x1400  }
0x56: {  	s25 =	sand.u32 @!p0 $0x3, s0;
	s1 =	smul.u32 @!p0 $0x5000, s1;
	[sflag:s22] =	ssyncset.done $0x0  }
0x57: {  	s20 =	sshrl.u32 s20, $0x2;
	s30 =	sadd.s32 $0xA0, s30;
	[sflag:s22] =	ssyncadd.s32 $0xFFFFEC00  }
0x58: {  	s31 =	simm.s32 @!p0 $0x50;
	s25 =	smul.u32 @!p0 $0x5000, s25;
	s1 =	sshrl.u32 @!p0 s1, $0x2  }
0x59: {  	s7 =	sadd.s32 @!p0 $0xFFFFFFB0, s30;
	s6 =	sadd.s32 @!p0 $0x9C40, s1;
	s1 =	sadd.s32 $0x9C40, s20  }
0x5a: {  	[spmem:s2] =	stream.indirect.scatter.add.f32 [tilespmem:s1], [sflag:$0x2], $0x40, s23, s17, $0xb8;
	[tilespmem:$0x1AC40] =	vst v63  }
0x5b: {  	s29 =	sadd.s32 $0xA0, s29;
	s1 =	sshrl.u32 @!p0 s25, $0x2;
	_ =	swait.ge [sflag:s26], $0x1400  }
0x5c: {  	s20 =	sshrl.u32 s24, $0x2;
	s1 =	sadd.s32 @!p0 $0x9C40, s1;
	[sflag:s26] =	ssyncset.done $0x0  }
0x5d: {  	p2 =	slt.u32 s21, $0xF8;
	s20 =	sadd.s32 $0x9C40, s20;
	[sflag:s26] =	ssyncadd.s32 $0xFFFFEC00  }
0x5e: {  	[tilespmem:s6], [sflag:$0x1] =	stream.indirect.gather @!p0 [hbm4b:s4+s31], $0x40, s7, s31, $0xb8;
	[tilespmem:$0x1AC40] =	vst v63  }
0x5f: {  	p1 =	por p0, p0;
	_ =	swait.ge [sflag:s22], $0x1400  }
.Ltmp2:
0x60: {  	s6 =	sadd.s32 $0xFFFFFFFE, s0;
	[sflag:s22] =	ssyncset.done $0x0;
	(pc) =	sbr.rel @p2 .LBB2_4-.Ltmp2, $4  }
0x61: {  	s6 =	sand.u32 $0x3, s6;
	[sflag:s22] =	ssyncadd.s32 $0xFFFFEC00  }
0x62: {  	[spmem:s2] =	stream.indirect.scatter.add.f32 [tilespmem:s20], [sflag:$0x2], $0x40, s29, s17, $0xb8;
	[tilespmem:$0x1AC40] =	vst v63  }
0x63: {  	s20 =	smul.u32 $0x5000, s6;
	_ =	swait.ge [sflag:s26], $0x1400  }
0x64: {  	s0 =	sadd.s32 $0x2, s0;
	[sflag:s26] =	ssyncset.done $0x0  }
.LBB2_5:
0x65: {  	[sflag:s26] =	ssyncadd.s32 $0xFFFFEC00  }
0x66: {  	[tilespmem:s1], [sflag:$0x1] =	stream.indirect.gather @!p1 [hbm4b:s4+s31], $0x40, s30, s31, $0xb8;
	[tilespmem:$0x1AC40] =	vst v63  }
0x67: {  	_ =	swait.ge [sflag:s22], $0x1400  }
0x68: {  	s0 =	sshrl.u32 s20, $0x2;
	[sflag:s22] =	ssyncset.done $0x0  }
0x69: {  	s29 =	sadd.s32 $0x50, s29;
	s0 =	sadd.s32 $0x9C40, s0;
	[sflag:s22] =	ssyncadd.s32 $0xFFFFEC00  }
0x6a: {  	[spmem:s2] =	stream.indirect.scatter.add.f32 [tilespmem:s0], [sflag:$0x2], $0x40, s29, s17, $0xb8;
	[tilespmem:$0x1AC40] =	vst v63  }
0x6b: {  	_ =	swait.ge [sflag:s26], $0x1400  }
0x6c: {  	[sflag:s26] =	ssyncset.done $0x0  }
0x6d: {  	[sflag:s26] =	ssyncadd.s32 $0xFFFFEC00  }
0x6e: {  	s28 =	sadd.s32 $0x1, s28;
	_ =	swait.ge [sflag:s26], $0x1400  }
0x6f: {  	s30 =	stileid.u32;
	s31 =	sshrl.u32 s5, $0x3;
	[sflag:s26] =	ssyncset.done $0x0  }
0x70: {  	p0 =	sne.s32 s28, s13;
	s0 =	sshll.u32 s30, $0x6;
	[sflag:s26] =	ssyncadd.s32 $0xFFFFEC00  }
.Ltmp3:
0x71: {  	s0 =	sor.u32 $0x1C03, s0;
	[bflag:$0x0] =	sbarrier.arrive $0xFFFF;
	(pc) =	sbr.rel @p0 .LBB2_1-.Ltmp3, $4  }
0x72: {  	[hbm:s12], [sflag:s0] =	dma.local [spmem:s31], $0x1400  }
0x73: {  	_ =	swait.ge [sflag:s15], $0x1400  }
0x74: {  	[sflag:s15] =	ssyncset.done $0x0  }
0x75: {  	[sflag:s15] =	ssyncadd.s32 $0xFFFFEC00  }
0x76: {  	_ =	sfence.sel $0x180000  }
0x77: {  	[bflag:$0x0] =	sbarrier.arrive $0xFFFF  }
0x78: {  	_ =	strace $0x9000004D  }
0x79: {  	s0 =	stileid.u32;
	[bflag:$0x2] =	sbarrier.arrive $0xFFFF  }
0x7a: {  	p0 =	sne.s32 s0, $0x0;
	s0 =	rddreg [dreg:$0x3]  }
0x7b: {  	s0 =	sadd.s32 @!p0 $0x100000, s0  }
0x7c: {  	[sflag:s0] =	ssyncadd.tile.s32 @!p0 $0x1;
	_ =	shalt  }
.Lfunc_end2:
_tile_overlayer_lowered:
.L_overlay_start_2:
0x7d: {  	(tag) =	ssettag $0x2  }
0x7e: {  	s0 =	rddreg [dreg:$0x0];
	s2 =	stileid.u32  }
0x7f: {  	s1 =	rddreg [dreg:$0x1];
	p0 =	sne.s32 s2, $0x0  }
0x80: {  	s3 =	rddreg [dreg:$0x2];
	[bflag:$0x3] =	sbarrier.arrive $0xFFFF;
	s2 =	simm.s32 @!p0 $0x1C03  }
0x81: {  	[timem:s3], [sflag:s2] =	dma.local @!p0 [hbm:s0], s1  }
0x82: {  	s0 =	simm.s32 @!p0 $0x3  }
0x83: {  	_ =	swait.ge @!p0 [sflag:s0], s1  }
0x84: {  	s1 =	ssub.s32 @!p0 $0x0, s1;
	[sflag:s0] =	ssyncset.done @!p0 $0x0  }
0x85: {  	[sflag:s0] =	ssyncadd.s32 @!p0 s1  }
0x86: {  	[bflag:$0x3] =	sbarrier.arrive $0xFFFF  }
0x87: {  	_ =	shalt  }

// kernel: kernel.9.cloned.1.call-start
scs
__scs_entry_jumppad:
0x0: {  	(pc) =	sbr.rel $0x88, $3  }
0x1: {  	(tag) =	ssettag $0x0;
	lr =	simm.s32 $0x1  }
0x2: {  	[smem:$0x3F9B] =	sst lr;
	_ =	strace $0xD0000000  }
0x3: {  	_ = 	snop  }
0x4: {  	_ = 	snop  }
0x5: {  	_ = 	snop  }
0x6: {  	_ = 	snop  }
0x7: {  	_ = 	snop  }
__scs_overlays_trampoline_lowered:
0x8: {  	[smem:$0x3FAA] =	sst s0  }
0x9: {  	[smem:$0x3FAB] =	sst s1  }
0xa: {  	[smem:$0x3FAC] =	sst s2  }
0xb: {  	[smem:$0x3FAD] =	sst s3  }
0xc: {  	[smem:$0x3FAE] =	sst s4  }
0xd: {  	[smem:$0x3FAF] =	sst s5  }
0xe: {  	[smem:$0x3FB0] =	sst s6  }
0xf: {  	[smem:$0x3FB1] =	sst s7  }
0x10: {  	[smem:$0x3FB2] =	sst s8  }
0x11: {  	[smem:$0x3FB3] =	sst s9;
	s0 =	simm.s32 @!p0 $0x0  }
0x12: {  	s1 =	sld [smem:$0x3F99];
	s0 =	simm.s32 @p0 $0x1  }
0x13: {  	[smem:$0x3FB4] =	sst s0;
	s0 =	simm.s32 @!p1 $0x0  }
0x14: {  	s2 =	sld [smem:$0x3F98];
	s0 =	simm.s32 @p1 $0x1  }
0x15: {  	[smem:$0x3FB5] =	sst s0;
	s0 =	simm.s32 @!p2 $0x0  }
0x16: {  	s3 =	sld [smem:$0x3FDB];
	s0 =	simm.s32 @p2 $0x1  }
0x17: {  	s4 =	simm.s32 $0x1BF5;
	[smem:$0x3FB7] =	sst s0  }
0x18: {  	s0 =	sld [smem:$0x3F9A];
	_ =	swait.ge [sflag:s4], $0x0  }
0x19: {  	s7 =	sld [smem:$0x3F9B]  }
0x1a: {  	s8 =	sadd.s32 $0xFFFFE003, lr  }
0x1b: {  	s9 =	sadd.s32 $0xFFFFFEF7, lr;
	s5 =	simm.s32 $0xFFFFFFFF;
	p2 =	slt.u32 s8, $0xFFFFF086  }
0x1c: {  	p1 =	slt.u32 s9, $0xF7A;
	s5 =	simm.s32 @!p2 $0x0  }
0x1d: {  	s5 =	simm.s32 @p1 $0x1;
	p0 =	seq.s32 s7, s2  }
0x1e: {  	s7 =	smul.u32 @!p0 $0xF7A, s2;
	p2 =	seq.s32 @!p0 s5, $0x0  }
0x1f: {  	s9 =	smul.u32 $0xF7A, s1;
	s8 =	simm.s32 @!p0 $0x1BF5;
	p2 =	por !p2, p0  }
0x20: {  	[sflag:s8] =	ssyncset.s32 @!p0 $0xFFFFF086;
	s6 =	sadd.s32 @!p0 s3, s7;
	s7 =	simm.s32 @!p0 $0x108  }
0x21: {  	s3 =	sadd.s32 s3, s9;
	s6 =	sadd.s32 @!p0 $0x88, s6;
	s7 =	simm.s32 @p2 $0x1082  }
0x22: {  	[simem:s7], [sflag:s8] =	dma.local @!p0 [hbm:s6], $0xF7A  }
0x23: {  	s9 =	sor.u32 $0xD0000000, s2;
	s6 =	simm.s32 $0x108;
	_ =	swait.ge @!p0 [sflag:s8], $0x0  }
0x24: {  	s3 =	sadd.s32 $0x88, s3;
	s6 =	simm.s32 @!p1 $0x1082;
	[sflag:s4] =	ssyncset.s32 $0xFFFFF086  }
0x25: {  	[simem:s6], [sflag:s4] =	dma.local [hbm:s3], $0xF7A  }
0x26: {  	[smem:$0x3F9B] =	sst s1;
	(tag) =	ssettag s2;
	_ =	strace s9  }
0x27: {  	s1 =	sld [smem:$0x3FAB]  }
0x28: {  	s2 =	sld [smem:$0x3FAC]  }
0x29: {  	s4 =	sld [smem:$0x3FAE]  }
0x2a: {  	p0 =	seq.s32 s5, $0x0;
	s5 =	sld [smem:$0x3FAF]  }
0x2b: {  	s6 =	sld [smem:$0x3FB0]  }
0x2c: {  	s7 =	sld [smem:$0x3FB1]  }
0x2d: {  	s3 =	simm.s32 $0x108;
	s8 =	sld [smem:$0x3FB2]  }
0x2e: {  	s3 =	simm.s32 @!p0 $0x1082;
	s9 =	sld [smem:$0x3FB3]  }
0x2f: {  	lr =	sadd.s32 s0, s3;
	s0 =	sld [smem:$0x3FAA]  }
0x30: {  	s3 =	sld [smem:$0x3FAD]  }
0x31: {  	[smem:$0x3FB6] =	sst s10  }
0x32: {  	s10 =	sld [smem:$0x3FB4];
	_ =	sdelay $0x3  }
0x33: {  	p0 =	seq.s32 s10, $0x1;
	s10 =	sld [smem:$0x3FB6];
	_ =	sdelay $0x3  }
0x34: {  	[smem:$0x3FB6] =	sst s10  }
0x35: {  	s10 =	sld [smem:$0x3FB5];
	_ =	sdelay $0x3  }
0x36: {  	p1 =	seq.s32 s10, $0x1;
	s10 =	sld [smem:$0x3FB6];
	_ =	sdelay $0x3  }
0x37: {  	[smem:$0x3FB6] =	sst s10  }
0x38: {  	s10 =	sld [smem:$0x3FB7]  }
0x39: {  	_ = 	snop;
	(pc) =	sbr.ind lr, $3  }
0x3a: {  	_ = 	snop  }
0x3b: {  	_ = 	snop  }
0x3c: {  	p2 =	seq.s32 s10, $0x1;
	s10 =	sld [smem:$0x3FB6]  }
0x3d: {  	_ =	shalt  }
0x3e: {  	_ =	shalt  }
0x3f: {  	_ =	shalt  }
0x40: {  	_ =	shalt  }
0x41: {  	_ =	shalt  }
0x42: {  	_ =	shalt  }
0x43: {  	_ =	shalt  }
0x44: {  	_ =	shalt  }
0x45: {  	_ =	shalt  }
0x46: {  	_ =	shalt  }
0x47: {  	_ =	shalt  }
0x48: {  	_ =	shalt  }
0x49: {  	_ =	shalt  }
0x4a: {  	_ =	shalt  }
0x4b: {  	_ =	shalt  }
0x4c: {  	_ =	shalt  }
0x4d: {  	_ =	shalt  }
0x4e: {  	_ =	shalt  }
0x4f: {  	_ =	shalt  }
0x50: {  	_ =	shalt  }
0x51: {  	_ =	shalt  }
0x52: {  	_ =	shalt  }
0x53: {  	_ =	shalt  }
0x54: {  	_ =	shalt  }
0x55: {  	_ =	shalt  }
0x56: {  	_ =	shalt  }
0x57: {  	_ =	shalt  }
0x58: {  	_ =	shalt  }
0x59: {  	_ =	shalt  }
0x5a: {  	_ =	shalt  }
0x5b: {  	_ =	shalt  }
0x5c: {  	_ =	shalt  }
0x5d: {  	_ =	shalt  }
0x5e: {  	_ =	shalt  }
0x5f: {  	_ =	shalt  }
0x60: {  	_ =	shalt  }
0x61: {  	_ =	shalt  }
0x62: {  	_ =	shalt  }
0x63: {  	_ =	shalt  }
0x64: {  	_ =	shalt  }
0x65: {  	_ =	shalt  }
0x66: {  	_ =	shalt  }
0x67: {  	_ =	shalt  }
0x68: {  	_ =	shalt  }
0x69: {  	_ =	shalt  }
0x6a: {  	_ =	shalt  }
0x6b: {  	_ =	shalt  }
0x6c: {  	_ =	shalt  }
0x6d: {  	_ =	shalt  }
0x6e: {  	_ =	shalt  }
0x6f: {  	_ =	shalt  }
0x70: {  	_ =	shalt  }
0x71: {  	_ =	shalt  }
0x72: {  	_ =	shalt  }
0x73: {  	_ =	shalt  }
0x74: {  	_ =	shalt  }
0x75: {  	_ =	shalt  }
0x76: {  	_ =	shalt  }
0x77: {  	_ =	shalt  }
0x78: {  	_ =	shalt  }
0x79: {  	_ =	shalt  }
0x7a: {  	_ =	shalt  }
0x7b: {  	_ =	shalt  }
0x7c: {  	_ =	shalt  }
0x7d: {  	_ =	shalt  }
0x7e: {  	_ =	shalt  }
0x7f: {  	_ =	shalt  }
0x80: {  	_ =	shalt  }
0x81: {  	_ =	shalt  }
0x82: {  	_ =	shalt  }
0x83: {  	_ =	shalt  }
0x84: {  	_ =	shalt  }
0x85: {  	_ =	shalt  }
0x86: {  	_ =	shalt  }
0x87: {  	_ =	shalt  }
.Lfunc_end0:
.L_simem_size_0:
called_computation_lowered:
.L_overlay_start_0:
0x88: {  	s2 =	sld [smem:$0x3FD9]  }
0x89: {  	s3 =	sld [smem:$0x3FFE];
	_ =	sdelay $0x1  }
0x8a: {  	s1 =	srdreg.scid  }
0x8b: {  	s0 =	sand.u32 $0x1, s1  }
0x8c: {  	s16 =	sshll.u32 s0, $0xA;
	s2 =	sadd.s32 s3, s2  }
0x8d: {  	s2 =	sadd.s32 s2, s16  }
0x8e: {  	[smem:$0x3FC2] =	sst s2  }
0x8f: {  	_ = 	snop  }
0x90: {  	(tm) =	ssettm $0x1  }
0x91: {  	s17 =	sld [smem:$0x3FFB];
	_ =	sdelay $0x3  }
0x92: {  	_ =	strace s17  }
0x93: {  	s2 =	sld [smem:$0x3FFC];
	_ =	sdelay $0x3  }
0x94: {  	_ =	strace s2  }
0x95: {  	s2 =	sld [smem:$0x3FFD];
	_ =	sdelay $0x3  }
0x96: {  	_ =	strace s2  }
0x97: {  	_ =	strace $0x8FFFFFFF  }
0x98: {  	s18 =	sld [smem:$0x3FDB];
	_ =	sdelay $0x1  }
0x99: {  	s19 =	simm.s32 $_scs_section_size  }
0x9a: {  	s4 =	simm.s32 $_size__tile_overlayer_lowered;
	s5 =	simm.s32 $_tile_overlayer_lowered  }
0x9b: {  	s22 =	simm.s32 $0x1BFF;
	s21 =	sshll.u32 s5, $0x1;
	s2 =	sadd.s32 s19, s18  }
0x9c: {  	s6 =	simm.s32 $0x0;
	s20 =	sshll.u32 s4, $0x1;
	s4 =	sadd.s32 s21, s2  }
0x9d: {  	[timem:s6], [sflag:s22] =	dma.local [hbm:s4], s20  }
0x9e: {  	_ =	swait.ge [sflag:s22], s20  }
0x9f: {  	s3 =	ssub.s32 $0x0, s20;
	[sflag:s22] =	ssyncset.done $0x0  }
0xa0: {  	[sflag:s22] =	ssyncadd.s32 s3;
	_ =	sdelay $0x1  }
0xa1: {  	s23 =	simm.s32 $0x1B8B  }
0xa2: {  	_ =	swait.ge [sflag:s23], $0x1  }
0xa3: {  	[sflag:s23] =	ssyncset.done $0x0  }
0xa4: {  	s25 =	simm.s32 $0x1B8E;
	s24 =	sld [smem:$0x3FFE];
	[sflag:s23] =	ssyncadd.s32 $0xFFFFFFFF  }
0xa5: {  	s26 =	simm.s32 $execute0_lowered;
	[smem:$0x3FD2] =	sst s25  }
0xa6: {  	s4 =	sshll.u32 s26, $0x1;
	_ =	strace $0x80000046;
	[dreg:$0x1] =	wrdreg $0xFFFFFFFF  }
0xa7: {  	s28 =	simm.s32 $_size_execute0_lowered;
	s2 =	sadd.s32 s2, s4;
	[dreg:$0x0] =	wrdreg $0x0  }
0xa8: {  	s4 =	sshll.u32 s28, $0x1;
	[dreg:$0x2] =	wrdreg s2  }
0xa9: {  	[dreg:$0x3] =	wrdreg s4  }
0xaa: {  	[dreg:$0x4] =	wrdreg $0xC0  }
0xab: {  	_ =	task [dreg:s6], $0x5FFFF  }
0xac: {  	[dreg:$0x1] =	wrdreg $0xFFFFFFFF  }
0xad: {  	[dreg:$0x0] =	wrdreg $0x60  }
0xae: {  	[dreg:$0x2] =	wrdreg s24  }
0xaf: {  	[dreg:$0x3] =	wrdreg $0x29E00  }
0xb0: {  	[dreg:$0x4] =	wrdreg $0x9  }
0xb1: {  	_ =	task.clear_ibuf [dreg:s6], $0x5FFFF;
	_ =	strace $0x90000046  }
0xb2: {  	s29 =	simm.s32 $0x9;
	_ =	strace $0x80000048  }
0xb3: {  	_ =	swait.ge [sflag:s29], $0x1  }
0xb4: {  	[sflag:s29] =	ssyncadd.s32 $0xFFFFFFFF  }
0xb5: {  	_ =	strace $0x90000048  }
0xb6: {  	_ =	sfence  }
0xb7: {  	s30 =	sld [smem:$0x0];
	_ =	sdelay $0x2  }
0xb8: {  	s31 =	sshll.u32 s1, $0xD;
	s1 =	sshrl.u32 s1, $0x2  }
0xb9: {  	s3 =	sand.u32 $0x4000, s31;
	s1 =	sadd.s32 s1, s30  }
0xba: {  	s0 =	sor.u32 s3, s0;
	s1 =	sshll.u32 s1, $0x11  }
0xbb: {  	s0 =	sor.u32 s1, s0  }
0xbc: {  	s0 =	sadd.s32 $0x8F2B, s0  }
0xbd: {  	[sflag:s0] =	ssyncadd.remote.s32 $0x1  }
0xbe: {  	_ =	sfence.sel $0xFFFF  }
0xbf: {  	[dreg:$0x0] =	wrdreg $0xFFFFFFFF;
	(pc) =	sbr.abs _section_cstart, $3  }
0xc0: {  	[dreg:$0x1] =	wrdreg $0xFFFFFFFF  }
0xc1: {  	_ =	task.clear_ibuf [dreg:s6], $0x2FFFF;
	_ =	strace $0x9FFFFFFF  }
0xc2: {  	(tm) =	ssettm $0x7FFFFFFF  }
0xc3: {  	_ =	shalt  }
tec
execute0_lowered:
.L_overlay_start_1:
0x0: {  	(tag) =	ssettag $0x1  }
0x1: {  	s0 =	srdreg.scid  }
0x2: {  	s4 =	rddreg [dreg:$0x0];
	s12 =	stileid.u32  }
0x3: {  	s1 =	rddreg [dreg:$0x1];
	s2 =	simm.s32 $0x0;
	s9 =	simm.s32 $0x50  }
0x4: {  	s10 =	simm.s32 $0x2710;
	s11 =	simm.s32 $0x26C0;
	s14 =	simm.s32 $0x0  }
0x5: {  	s3 =	sand.u32 $0x1, s0;
	[smem:$0x7FF] =	sst s2;
	s6 =	smul.u32 $0xA00, s12  }
0x6: {  	p0 =	sne.s32 s12, $0x0;
	s0 =	sshll.u32 s3, $0x4;
	s7 =	smul.u32 $0x500, s3  }
0x7: {  	s3 =	ssub.s32 $0x2, s3;
	s13 =	sshrl.u32 @!p0 s1, $0x3;
	s5 =	sor.u32 s12, s0  }
0x8: {  	s0 =	rddreg [dreg:$0x2];
	_ =	strace $0x80000047;
	s8 =	sshrl.u32 s3, $0x1  }
0x9: {  	s6 =	sshrl.u32 s6, $0x2;
	s12 =	simm.s32 $0x1;
	s5 =	smul.u32 $0x4E2, s5  }
0xa: {  	s7 =	sadd.s32 s7, s4;
	s8 =	ssub.s32 s3, s8;
	s3 =	sadd.s32 s6, s1  }
0xb: {  	s6 =	smax.u32 s8, $0x1;
	s8 =	simm.s32 $0x2;
	s5 =	sadd.s32 s5, s4  }
0xc: {  	v0 =	vimm.f32 $1.000000000e+00;
	v1 =	vimm.f32 $0.0e+00;
	s4 =	sadd.s32 $0x2400, s5;
	s5 =	sadd.s32 $0xC200, s7;
	s7 =	simm.s32 $0x2760  }
.LBB2_1:
0xd: {  	[tilespmem:$0x2710] =	vst v0  }
0xe: {  	[tilespmem:$0x2720] =	vst v0  }
0xf: {  	[tilespmem:$0x2730] =	vst v0  }
0x10: {  	[tilespmem:$0x2740] =	vst v0  }
0x11: {  	[tilespmem:$0x2750] =	vst v0  }
0x12: {  	[tilespmem:$0x2760] =	vst v1  }
0x13: {  	[tilespmem:$0x2770] =	vst v1  }
0x14: {  	[tilespmem:$0x2780] =	vst v1  }
0x15: {  	[tilespmem:$0x2790] =	vst v1  }
0x16: {  	[tilespmem:$0x27A0] =	vst v1  }
0x17: {  	[tilespmem:$0x27B0] =	vst v1  }
0x18: {  	[tilespmem:$0x27C0] =	vst v1  }
0x19: {  	[tilespmem:$0x27D0] =	vst v1  }
0x1a: {  	[tilespmem:$0x27E0] =	vst v1  }
0x1b: {  	[tilespmem:$0x27F0] =	vst v1  }
0x1c: {  	[tilespmem:$0x2800] =	vst v1  }
0x1d: {  	[tilespmem:$0x2810] =	vst v1  }
0x1e: {  	[tilespmem:$0x2820] =	vst v1  }
0x1f: {  	[tilespmem:$0x2830] =	vst v1  }
0x20: {  	[tilespmem:$0x2840] =	vst v1  }
0x21: {  	[tilespmem:$0x2850] =	vst v1  }
0x22: {  	[tilespmem:$0x2860] =	vst v1  }
0x23: {  	[tilespmem:$0x2870] =	vst v1  }
0x24: {  	[tilespmem:$0x2880] =	vst v1  }
0x25: {  	[tilespmem:$0x2890] =	vst v1  }
0x26: {  	[tilespmem:$0x28A0] =	vst v1  }
0x27: {  	[tilespmem:$0x28B0] =	vst v1  }
0x28: {  	[tilespmem:$0x28C0] =	vst v1  }
0x29: {  	[tilespmem:$0x28D0] =	vst v1  }
0x2a: {  	[tilespmem:$0x28E0] =	vst v1  }
0x2b: {  	[tilespmem:$0x28F0] =	vst v1  }
0x2c: {  	[tilespmem:$0x2900] =	vst v1  }
0x2d: {  	[tilespmem:$0x2910] =	vst v1  }
0x2e: {  	[tilespmem:$0x2920] =	vst v1  }
0x2f: {  	[tilespmem:$0x2930] =	vst v1  }
0x30: {  	[tilespmem:$0x2940] =	vst v1  }
0x31: {  	[tilespmem:$0x2950] =	vst v1  }
0x32: {  	[tilespmem:$0x2960] =	vst v1  }
0x33: {  	[tilespmem:$0x2970] =	vst v1  }
0x34: {  	[tilespmem:$0x2980] =	vst v1  }
0x35: {  	[tilespmem:$0x2990] =	vst v1  }
0x36: {  	[tilespmem:$0x29A0] =	vst v1  }
0x37: {  	[tilespmem:$0x29B0] =	vst v1  }
0x38: {  	[tilespmem:$0x29C0] =	vst v1  }
0x39: {  	[tilespmem:$0x29D0] =	vst v1  }
0x3a: {  	[spmem:s3] =	stream.linear.scatter [tilespmem:s7], [sflag:$0x2], $0x280, $0x38;
	[tilespmem:$0x2C60] =	vst v63  }
0x3b: {  	_ =	swait.ge [sflag:s8], $0x280  }
0x3c: {  	[sflag:s8] =	ssyncset.done $0x0  }
0x3d: {  	[sflag:s8] =	ssyncadd.s32 $0xFFFFFD80  }
0x3e: {  	[tilespmem:s2], [sflag:$0x2] =	stream.linear.gather [hbm4b:s4+s2], $0x2710, $0x38;
	[tilespmem:$0x2C60] =	vst v63  }
0x3f: {  	_ =	swait.ge [sflag:s8], $0x2710  }
0x40: {  	[sflag:s8] =	ssyncset.done $0x0  }
0x41: {  	[sflag:s8] =	ssyncadd.s32 $0xFFFFD8F0  }
0x42: {  	s15 =	simm.s32 $0x0;
	[bflag:$0x0] =	sbarrier.arrive $0xFFFF  }
0x43: {  	[spmem:s1] =	stream.indirect.scatter.add.f32 [tilespmem:s10], [sflag:$0x1], $0x1, s15, s9, $0xb8;
	[tilespmem:$0x2C60] =	vst v63  }
0x44: {  	s30 =	simm.s32 $0x50;
	s31 =	simm.s32 $0xA0  }
0x45: {  	[spmem:s1] =	stream.indirect.scatter.add.f32 [tilespmem:s10], [sflag:$0x1], $0x1, s30, s9, $0xb8;
	[tilespmem:$0x2C60] =	vst v63  }
0x46: {  	s17 =	simm.s32 $0xF0;
	s16 =	simm.s32 $0x230;
	s15 =	simm.s32 $0x0  }
0x47: {  	[spmem:s1] =	stream.indirect.scatter.add.f32 [tilespmem:s10], [sflag:$0x1], $0x1, s31, s9, $0xb8;
	[tilespmem:$0x2C60] =	vst v63  }
.LBB2_2:
0x48: {  	[spmem:s1] =	stream.indirect.scatter.add.f32 [tilespmem:s10], [sflag:$0x1], $0x1, s17, s9, $0xb8;
	[tilespmem:$0x2C60] =	vst v63  }
0x49: {  	s15 =	sadd.s32 $0x4, s15  }
0x4a: {  	s18 =	sadd.s32 $0xFFFFFF10, s16;
	s17 =	smov.u32 s16;
	p1 =	slt.u32 s15, $0x78  }
0x4b: {  	[spmem:s1] =	stream.indirect.scatter.add.f32 [tilespmem:s10], [sflag:$0x1], $0x1, s18, s9, $0xb8;
	[tilespmem:$0x2C60] =	vst v63  }
.Ltmp0:
0x4c: {  	s18 =	sadd.s32 $0xFFFFFF60, s16;
	(pc) =	sbr.rel @p1 .LBB2_2-.Ltmp0, $4  }
0x4d: {  	[spmem:s1] =	stream.indirect.scatter.add.f32 [tilespmem:s10], [sflag:$0x1], $0x1, s18, s9, $0xb8;
	[tilespmem:$0x2C60] =	vst v63  }
0x4e: {  	s18 =	sadd.s32 $0xFFFFFFB0, s16  }
0x4f: {  	[spmem:s1] =	stream.indirect.scatter.add.f32 [tilespmem:s10], [sflag:$0x1], $0x1, s18, s9, $0xb8;
	[tilespmem:$0x2C60] =	vst v63  }
0x50: {  	s16 =	sadd.s32 $0x140, s16  }
0x51: {  	[spmem:s1] =	stream.indirect.scatter.add.f32 [tilespmem:s10], [sflag:$0x1], $0x1, s17, s9, $0xb8;
	[tilespmem:$0x2C60] =	vst v63  }
0x52: {  	_ = 	snop  }
0x53: {  	[spmem:s1] =	stream.indirect.scatter.add.f32 [tilespmem:s10], [sflag:$0x1], $0x1, s11, s9, $0xb8;
	[tilespmem:$0x2C60] =	vst v63  }
0x54: {  	_ =	swait.ge [sflag:s12], $0x50  }
0x55: {  	[sflag:s12] =	ssyncset.done $0x0  }
0x56: {  	[sflag:s12] =	ssyncadd.s32 $0xFFFFFFB0  }
0x57: {  	_ =	swait.ge [sflag:s12], $0x50  }
0x58: {  	[sflag:s12] =	ssyncset.done $0x0  }
0x59: {  	[sflag:s12] =	ssyncadd.s32 $0xFFFFFFB0  }
0x5a: {  	_ =	swait.ge [sflag:s12], $0x50  }
0x5b: {  	[sflag:s12] =	ssyncset.done $0x0  }
0x5c: {  	[sflag:s12] =	ssyncadd.s32 $0xFFFFFFB0  }
0x5d: {  	_ =	swait.ge [sflag:s12], $0x50  }
0x5e: {  	s15 =	simm.s32 $0x0;
	[sflag:s12] =	ssyncset.done $0x0  }
.LBB2_4:
0x5f: {  	s15 =	sadd.s32 $0x4, s15;
	[sflag:s12] =	ssyncadd.s32 $0xFFFFFFB0  }
0x60: {  	_ =	swait.ge [sflag:s12], $0x50;
	p1 =	slt.u32 s15, $0x78  }
0x61: {  	[sflag:s12] =	ssyncset.done $0x0  }
0x62: {  	[sflag:s12] =	ssyncadd.s32 $0xFFFFFFB0  }
0x63: {  	_ =	swait.ge [sflag:s12], $0x50  }
0x64: {  	[sflag:s12] =	ssyncset.done $0x0  }
0x65: {  	[sflag:s12] =	ssyncadd.s32 $0xFFFFFFB0  }
.Ltmp1:
0x66: {  	_ =	swait.ge [sflag:s12], $0x50;
	(pc) =	sbr.rel @p1 .LBB2_4-.Ltmp1, $4  }
0x67: {  	[sflag:s12] =	ssyncset.done $0x0  }
0x68: {  	[sflag:s12] =	ssyncadd.s32 $0xFFFFFFB0  }
0x69: {  	_ =	swait.ge [sflag:s12], $0x50  }
0x6a: {  	[sflag:s12] =	ssyncset.done $0x0  }
0x6b: {  	[sflag:s12] =	ssyncadd.s32 $0xFFFFFFB0  }
0x6c: {  	_ =	swait.ge [sflag:s12], $0x50  }
0x6d: {  	[sflag:s12] =	ssyncset.done $0x0  }
0x6e: {  	s14 =	sadd.s32 $0x1, s14;
	[sflag:s12] =	ssyncadd.s32 $0xFFFFFFB0  }
0x6f: {  	s15 =	simm.s32 @!p0 $0x1C02;
	p1 =	sne.s32 s14, s6;
	[bflag:$0x0] =	sbarrier.arrive $0xFFFF  }
0x70: {  	[hbm:s5], [sflag:s15] =	dma.local @!p0 [spmem:s13], $0x500  }
.Ltmp2:
0x71: {  	_ = 	snop;
	(pc) =	sbr.rel @p1 .LBB2_1-.Ltmp2, $4  }
0x72: {  	s15 =	simm.s32 @!p0 $0x2  }
0x73: {  	_ =	swait.ge @!p0 [sflag:s15], $0x500  }
0x74: {  	[sflag:s15] =	ssyncset.done @!p0 $0x0  }
0x75: {  	[sflag:s15] =	ssyncadd.s32 @!p0 $0xFFFFFB00  }
0x76: {  	_ =	sfence.sel $0x180000  }
0x77: {  	[bflag:$0x0] =	sbarrier.arrive $0xFFFF  }
0x78: {  	_ =	strace $0x90000047  }
0x79: {  	s0 =	sadd.s32 @!p0 $0x100000, s0;
	[bflag:$0x2] =	sbarrier.arrive $0xFFFF  }
0x7a: {  	[sflag:s0] =	ssyncadd.tile.s32 @!p0 $0x1;
	_ =	shalt  }
.Lfunc_end2:
_tile_overlayer_lowered:
.L_overlay_start_2:
0x7b: {  	(tag) =	ssettag $0x2  }
0x7c: {  	s0 =	rddreg [dreg:$0x0];
	s2 =	stileid.u32  }
0x7d: {  	s1 =	rddreg [dreg:$0x1];
	p0 =	sne.s32 s2, $0x0  }
0x7e: {  	s3 =	rddreg [dreg:$0x2];
	[bflag:$0x3] =	sbarrier.arrive $0xFFFF;
	s2 =	simm.s32 @!p0 $0x1C02  }
0x7f: {  	[timem:s3], [sflag:s2] =	dma.local @!p0 [hbm:s0], s1  }
0x80: {  	s0 =	simm.s32 @!p0 $0x2  }
0x81: {  	_ =	swait.ge @!p0 [sflag:s0], s1  }
0x82: {  	s1 =	ssub.s32 @!p0 $0x0, s1;
	[sflag:s0] =	ssyncset.done @!p0 $0x0  }
0x83: {  	[sflag:s0] =	ssyncadd.s32 @!p0 s1  }
0x84: {  	[bflag:$0x3] =	sbarrier.arrive $0xFFFF  }
0x85: {  	_ =	shalt  }

</sc_bundles>
